<compile_context>
chip_gen: v7x
topology: tpu7x:2x2x1
jax: 0.10.2.dev20260603
libtpu: 0.0.44.dev20260713+nightly
codegen_flags: <defaults>
</compile_context>

<pallas_src>
import functools

import jax
import jax.numpy as jnp
from jax import lax
from jax.experimental import pallas as pl
from jax.experimental.pallas import tpu as pltpu
from jax.experimental.pallas import tpu_sc as plsc

_N = 10000
_E = 320000
_D = 128

_NS = 16
_CHUNK = 128
_CPW = 158
_EPW = _CPW * _CHUNK
_EPAD = _NS * _EPW
_NPAD = 10240
_RPT = _NPAD // _NS
_BM = 2048

_mesh = plsc.VectorSubcoreMesh(
    core_axis_name="c", subcore_axis_name="s", num_cores=1)


@functools.partial(
    pl.kernel,
    out_type=jax.ShapeDtypeStruct((_NS, _NPAD), jnp.float32),
    mesh=_mesh,
    scratch_types=[
        pltpu.VMEM((_EPW,), jnp.int32),
        pltpu.VMEM((_NPAD,), jnp.float32),
    ],
    compiler_params=pltpu.CompilerParams(needs_layout_passes=False),
)
def _sc_deg(dst_hbm, zeros_hbm, out_hbm, dstv, hist):
    sid = lax.axis_index("s")
    pltpu.sync_copy(dst_hbm.at[sid], dstv)
    pltpu.sync_copy(zeros_hbm, hist)
    ones = jnp.full((16,), 1.0, jnp.float32)

    def body(i, carry):
        idx = dstv[pl.ds(i * 16, 16)]
        plsc.addupdate_scatter(hist, [idx], ones)
        return carry

    lax.fori_loop(0, _EPW // 16, body, 0)
    pltpu.sync_copy(hist, out_hbm.at[sid])


_NC = 2
_CPW_A = 95
_CPW_B = 62
_EA = _NS * _CPW_A * _CHUNK
_EB = _NS * _CPW_B * _CHUNK
_EPWM = _CPW_A * _CHUNK
_HALF = _NPAD // 2
_AROWS = _HALF + _CHUNK
_ZPT = _AROWS // _NS
_OPT = _HALF // _NS

_mesh2 = plsc.VectorSubcoreMesh(
    core_axis_name="c", subcore_axis_name="s", num_cores=_NC)


@functools.partial(
    pl.kernel,
    out_type=jax.ShapeDtypeStruct((_NC, _NPAD, _D), jnp.float32),
    mesh=_mesh2,
    scratch_types=[
        pltpu.VMEM((_CPW_A, _CHUNK), jnp.int32),
        pltpu.VMEM((_EPWM,), jnp.int32),
        pltpu.VMEM((1, _CHUNK), jnp.int32),
        pltpu.VMEM((_CHUNK, _D), jnp.float32),
        pltpu.VMEM((_CHUNK, _D), jnp.float32),
        pltpu.VMEM_SHARED((_AROWS, _D), jnp.float32),
        pltpu.SemaphoreType.DMA,
    ],
)
def _sc_agg(xws_hbm, src_hbm, dst_hbm, zeros_hbm, out_hbm,
            srcv, dstv, rbuf, rows, zbuf, shagg, sem):
    cid = lax.axis_index("c")
    sid = lax.axis_index("s")
    pltpu.sync_copy(src_hbm.at[cid, sid], srcv)
    pltpu.sync_copy(dst_hbm.at[cid, sid], dstv)
    pltpu.sync_copy(zeros_hbm, zbuf)

    def zero_acc():
        zb = sid * _ZPT
        off = 0
        while off < _ZPT:
            n = min(_CHUNK, _ZPT - off)
            pltpu.sync_copy(zbuf.at[pl.ds(0, n)],
                            shagg.at[pl.ds(zb + off, n)])
            off += n

    nb = jnp.where(cid == 0, _CPW_A, _CPW_B)
    for p in range(2):
        zero_acc()
        plsc.subcore_barrier()
        lo = p * _HALF

        def body(j, carry):
            for k in range(_CHUNK // 16):
                d16 = dstv[pl.ds(j * _CHUNK + k * 16, 16)]
                t16 = d16 - lo
                ok = jnp.logical_and(t16 >= 0, t16 < _HALF)
                rbuf[0, pl.ds(k * 16, 16)] = jnp.where(ok, t16, _HALF)
            pltpu.async_copy(xws_hbm.at[srcv.at[j]], rows, sem).wait()
            pltpu.sync_copy(rows, shagg.at[rbuf.at[0]], add=True)
            return carry

        lax.fori_loop(0, nb, body, 0)
        plsc.subcore_barrier()
        pltpu.sync_copy(shagg.at[pl.ds(sid * _OPT, _OPT)],
                        out_hbm.at[cid, pl.ds(lo + sid * _OPT, _OPT)])
        plsc.subcore_barrier()


def _mm_body(x_ref, w_ref, o_ref):
    o_ref[...] = jnp.dot(x_ref[...], w_ref[...],
                         preferred_element_type=jnp.float32)


def _scale_body(xw_ref, hist_ref, xws_ref, norm_ref):
    ones = jnp.ones((_NS, 1), jnp.float32)
    deg = lax.dot_general(hist_ref[...], ones, (((0,), (0,)), ((), ())),
                          preferred_element_type=jnp.float32)
    norm = lax.rsqrt(jnp.maximum(deg, 1.0))
    norm_ref[...] = norm
    xws_ref[...] = xw_ref[...] * norm


def _loss_body(a_ref, norm_ref, b0_ref, wp_ref, bp_ref, o_ref):
    j = pl.program_id(0)
    agg = a_ref[0] + a_ref[1]
    h = jnp.maximum(agg * norm_ref[...] + b0_ref[...], 0.0)
    v = jnp.sum(wp_ref[...], axis=1, keepdims=True)
    c = jnp.sum(bp_ref[...])
    s = jnp.dot(h, v, preferred_element_type=jnp.float32) + c
    row = lax.broadcasted_iota(jnp.int32, (_BM, 1), 0) + j * _BM
    t = jnp.abs(s)
    term = t + 2.0 * jnp.log1p(jnp.exp(-t))
    term = jnp.where(row < _N, term, 0.0)
    part = (jnp.sum(term) / (2.0 * _N)).reshape(1, 1)

    @pl.when(j == 0)
    def _():
        o_ref[...] = jnp.zeros_like(part)

    o_ref[...] += part


def _tc_matmul(x, w):
    return pl.pallas_call(
        _mm_body,
        grid=(_NPAD // _BM,),
        in_specs=[pl.BlockSpec((_BM, _D), lambda i: (i, 0)),
                  pl.BlockSpec((_D, _D), lambda i: (0, 0))],
        out_specs=pl.BlockSpec((_BM, _D), lambda i: (i, 0)),
        out_shape=jax.ShapeDtypeStruct((_NPAD, _D), jnp.float32),
    )(x, w)


def _tc_scale(xw, hist):
    return pl.pallas_call(
        _scale_body,
        grid=(_NPAD // _BM,),
        in_specs=[pl.BlockSpec((_BM, _D), lambda i: (i, 0)),
                  pl.BlockSpec((_NS, _BM), lambda i: (0, i))],
        out_specs=[pl.BlockSpec((_BM, _D), lambda i: (i, 0)),
                   pl.BlockSpec((_BM, 1), lambda i: (i, 0))],
        out_shape=[jax.ShapeDtypeStruct((_NPAD, _D), jnp.float32),
                   jax.ShapeDtypeStruct((_NPAD, 1), jnp.float32)],
    )(xw, hist)


def _tc_loss(a, norm, b0r, wp, bpr):
    return pl.pallas_call(
        _loss_body,
        grid=(_NPAD // _BM,),
        in_specs=[pl.BlockSpec((_NC, _BM, _D), lambda i: (0, i, 0)),
                  pl.BlockSpec((_BM, 1), lambda i: (i, 0)),
                  pl.BlockSpec((1, _D), lambda i: (0, 0)),
                  pl.BlockSpec((_D, _D), lambda i: (0, 0)),
                  pl.BlockSpec((1, _D), lambda i: (0, 0))],
        out_specs=pl.BlockSpec((1, 1), lambda i: (0, 0)),
        out_shape=jax.ShapeDtypeStruct((1, 1), jnp.float32),
    )(a, norm, b0r, wp, bpr)


def kernel(features, edge_index, labels, W0, b0, Wp, bp):
    del labels
    xpad = jnp.pad(features, ((0, _NPAD - _N), (0, 0)))
    pad = _EPAD - _E
    dst_flat = jnp.concatenate(
        [edge_index[1], jnp.full((pad,), _N, jnp.int32)]).reshape(_NS, _EPW)
    pad2 = _EA + _EB - _E
    src0 = edge_index[0, :_EA].reshape(_NS, _CPW_A, _CHUNK)
    src1 = jnp.concatenate(
        [edge_index[0, _EA:], jnp.zeros((pad2,), jnp.int32)]).reshape(
            _NS, _CPW_B, _CHUNK)
    src1 = jnp.pad(src1, ((0, 0), (0, _CPW_A - _CPW_B), (0, 0)))
    src_p = jnp.stack([src0, src1])
    dst0 = edge_index[1, :_EA].reshape(_NS, _CPW_A, _CHUNK)
    dst1 = jnp.concatenate(
        [edge_index[1, _EA:], jnp.full((pad2,), _N, jnp.int32)]).reshape(
            _NS, _CPW_B, _CHUNK)
    dst1 = jnp.pad(dst1, ((0, 0), (0, _CPW_A - _CPW_B), (0, 0)),
                   constant_values=_N)
    dst_p = jnp.stack([dst0, dst1]).reshape(_NC, _NS, _EPWM)
    zeros128 = jnp.zeros((_CHUNK, _D), jnp.float32)

    zeros_n = jnp.zeros((_NPAD,), jnp.float32)
    hist = _sc_deg(dst_flat, zeros_n)
    xw = _tc_matmul(xpad, W0)
    xws, norm = _tc_scale(xw, hist)
    agg = _sc_agg(xws, src_p, dst_p, zeros128)
    loss = _tc_loss(agg, norm,
                    b0.reshape(1, _D), Wp, bp.reshape(1, _D))
    return loss[0, 0]

# --- scband reference (transcript-rebuilt; emitter-appended) ---
"""Pipeline reference for scband-ggd-4475355922533 (READ-ONLY COPY).

The authoritative reference and input builder live on the scoring server;
editing this copy changes nothing except your own understanding.
"""

import jax, jax.numpy as jnp
import numpy as np

N = 10000
E = 320000
D_IN = 128
D_H = 128


def setup_inputs(seed: int = 0) -> dict:
    key = jax.random.key(seed)
    ks = jax.random.split(key, 8)
    features = jax.random.normal(ks[0], (N, D_IN), dtype=jnp.float32)
    edge_index = jax.random.randint(ks[1], (2, E), 0, N, dtype=jnp.int32)
    labels = jnp.zeros((1, 2 * N), dtype=jnp.float32)  # unused by forward (lbl built internally)
    # GCN layer (n_layers=1): in_feats -> n_hidden
    W0 = jax.random.normal(ks[2], (D_IN, D_H), dtype=jnp.float32) * (1.0 / np.sqrt(D_IN))
    b0 = jnp.zeros((D_H,), dtype=jnp.float32)
    # projection MLP (proj_layers=1): n_hidden -> n_hidden
    Wp = jax.random.normal(ks[3], (D_H, D_H), dtype=jnp.float32) * (1.0 / np.sqrt(D_H))
    bp = jnp.zeros((D_H,), dtype=jnp.float32)
    return {"features": features, "edge_index": edge_index, "labels": labels,
            "W0": W0, "b0": b0, "Wp": Wp, "bp": bp}


def _gcn_encode(features, edge_index, W0, b0):
    src = edge_index[0]
    dst = edge_index[1]
    # symmetric normalization D^-1/2 A D^-1/2 with in-degree clamp(min=1)
    deg = jnp.zeros((N,), dtype=jnp.float32).at[dst].add(1.0)
    deg = jnp.clip(deg, 1.0, None)
    norm = deg ** -0.5
    xw = features @ W0
    msg = jnp.take(xw, src, axis=0) * norm[src][:, None]
    agg = jnp.zeros((N, D_H), dtype=jnp.float32).at[dst].add(msg)
    h = agg * norm[:, None] + b0
    return jax.nn.relu(h)


def _bce_with_logits(logits, targets):
    # mean over all elements: max(x,0) - x*z + log1p(exp(-|x|))
    return jnp.mean(jnp.maximum(logits, 0.0) - logits * targets + jnp.log1p(jnp.exp(-jnp.abs(logits))))


def reference(features, edge_index, labels, W0, b0, Wp, bp):
    # GGD.forward: both encoder calls use corrupt=False (as written in source)
    h_1 = _gcn_encode(features, edge_index, W0, b0)
    h_2 = _gcn_encode(features, edge_index, W0, b0)
    sc_1 = h_1  # squeeze(0) is a no-op for [N, d]
    sc_2 = h_2
    sc_1 = sc_1 @ Wp + bp
    sc_2 = sc_2 @ Wp + bp
    sc_1 = sc_1.sum(axis=1)[None, :]
    sc_2 = sc_2.sum(axis=1)[None, :]
    lbl_1 = jnp.ones((1, sc_1.shape[1]), dtype=jnp.float32)
    lbl_2 = jnp.zeros((1, sc_1.shape[1]), dtype=jnp.float32)
    lbl = jnp.concatenate((lbl_1, lbl_2), axis=1)
    logits = jnp.concatenate((sc_1, sc_2), axis=1)
    loss = _bce_with_logits(logits, lbl)
    return loss

if __name__ == "__main__":
    import jax
    _d = setup_inputs()
    print(jax.jit(kernel)(*tuple(_d.values())))

</pallas_src>

<mosaic_0001>
#map = affine_map<(d0, d1) -> (0, 0)>
#map1 = affine_map<(d0, d1) -> (0)>
module attributes {stable_mosaic.version = 14 : i64} {
  func.func @_sc_deg(%arg0: i32, %arg1: i32, %arg2: memref<16x20224xi32, #tpu.memory_space<hbm>>, %arg3: memref<10240xf32, #tpu.memory_space<hbm>>, %arg4: memref<16x10240xf32, #tpu.memory_space<hbm>>, %arg5: memref<20224xi32, #tpu.memory_space<vmem>>, %arg6: memref<10240xf32, #tpu.memory_space<vmem>>) attributes {dimension_semantics = [#tpu.dimension_semantics<core_parallel>, #tpu.dimension_semantics<subcore_parallel>], iteration_bounds = array<i64: 1, 16>, scalar_prefetch = 0 : i64, scratch_operands = 2 : i64, tpu.core_type = #tpu.core_type<sc_vector_subcore>, window_params = [{transform_indices = #map}, {transform_indices = #map1}, {transform_indices = #map}]} {
    "tpu.region"() ({
      %run_scoped3A = tpu.sem_alloc : memref<!tpu.dma_semaphore, #tpu.memory_space<semaphore_mem>>
      %dma_start3A = arith.constant 0 : i32
      %dma_start3A_6 = tpu.memref_slice %arg2[%arg1, %dma_start3A] : memref<16x20224xi32, #tpu.memory_space<hbm>> -> memref<1x20224xi32, #tpu.memory_space<hbm>>
      %dma_start3A_7 = tpu.memref_squeeze %dma_start3A_6 : memref<1x20224xi32, #tpu.memory_space<hbm>> -> memref<20224xi32, #tpu.memory_space<hbm>>
      %dma_start3A_8 = arith.constant 0 : i32
      %dma_start3A_9 = tpu.memref_slice %arg2[%arg1, %dma_start3A_8] : memref<16x20224xi32, #tpu.memory_space<hbm>> -> memref<1x20224xi32, #tpu.memory_space<hbm>>
      %dma_start3A_10 = tpu.memref_squeeze %dma_start3A_9 : memref<1x20224xi32, #tpu.memory_space<hbm>> -> memref<20224xi32, #tpu.memory_space<hbm>>
      tpu.enqueue_dma source(%dma_start3A_10 : memref<20224xi32, #tpu.memory_space<hbm>>) target(%arg5 : memref<20224xi32, #tpu.memory_space<vmem>>) target_semaphore(%run_scoped3A : memref<!tpu.dma_semaphore, #tpu.memory_space<semaphore_mem>>)
      %dma_wait3A = arith.constant 0 : i32
      %dma_wait3A_11 = tpu.memref_slice %arg2[%arg1, %dma_wait3A] : memref<16x20224xi32, #tpu.memory_space<hbm>> -> memref<1x20224xi32, #tpu.memory_space<hbm>>
      %dma_wait3A_12 = tpu.memref_squeeze %dma_wait3A_11 : memref<1x20224xi32, #tpu.memory_space<hbm>> -> memref<20224xi32, #tpu.memory_space<hbm>>
      %dma_wait3A_13 = arith.constant 0 : i32
      %dma_wait3A_14 = tpu.memref_slice %arg2[%arg1, %dma_wait3A_13] : memref<16x20224xi32, #tpu.memory_space<hbm>> -> memref<1x20224xi32, #tpu.memory_space<hbm>>
      %dma_wait3A_15 = tpu.memref_squeeze %dma_wait3A_14 : memref<1x20224xi32, #tpu.memory_space<hbm>> -> memref<20224xi32, #tpu.memory_space<hbm>>
      tpu.wait_dma2 semaphore(%run_scoped3A : memref<!tpu.dma_semaphore, #tpu.memory_space<semaphore_mem>>) src(%dma_wait3A_15 : memref<20224xi32, #tpu.memory_space<hbm>>) dst(%arg5 : memref<20224xi32, #tpu.memory_space<vmem>>)
      tpu.yield
    }) : () -> ()
    "tpu.region"() ({
      %run_scoped3A = tpu.sem_alloc : memref<!tpu.dma_semaphore, #tpu.memory_space<semaphore_mem>>
      tpu.enqueue_dma source(%arg3 : memref<10240xf32, #tpu.memory_space<hbm>>) target(%arg6 : memref<10240xf32, #tpu.memory_space<vmem>>) target_semaphore(%run_scoped3A : memref<!tpu.dma_semaphore, #tpu.memory_space<semaphore_mem>>)
      tpu.wait_dma2 semaphore(%run_scoped3A : memref<!tpu.dma_semaphore, #tpu.memory_space<semaphore_mem>>) src(%arg3 : memref<10240xf32, #tpu.memory_space<hbm>>) dst(%arg6 : memref<10240xf32, #tpu.memory_space<vmem>>)
      tpu.yield
    }) : () -> ()
    %broadcast_in_dim3A = arith.constant 1.000000e+00 : f32
    %broadcast_in_dim3A_0 = vector.broadcast %broadcast_in_dim3A : f32 to vector<16xf32>
    %scan3A = arith.constant 0 : i32
    %scan3A_1 = arith.constant 0 : i32
    %scan3A_2 = arith.constant 1264 : i32
    %scan3A_3 = arith.addi %scan3A_1, %scan3A_2 : i32
    %scan3A_4 = arith.constant 1 : i32
    scf.for %scan3A_6 = %scan3A_1 to %scan3A_3 step %scan3A_4  : i32 {
      %mul3A = arith.constant 16 : i32
      %mul3A_7 = arith.muli %scan3A_6, %mul3A : i32
      %get3A = arith.index_cast %mul3A_7 : i32 to index
      %get3A_8 = tpu.vector_load %arg5[%get3A] {strides = array<i32>} : memref<20224xi32, #tpu.memory_space<vmem>>, vector<16xi32>,
      tpu.vector_store_idx %arg6[%get3A_8], %broadcast_in_dim3A_0 {add = true} : memref<10240xf32, #tpu.memory_space<vmem>>[vector<16xi32>], vector<16xf32>,
    }
    %scan3A_5 = arith.constant 1264 : i32
    "tpu.region"() ({
      %run_scoped3A = tpu.sem_alloc : memref<!tpu.dma_semaphore, #tpu.memory_space<semaphore_mem>>
      %dma_start3A = arith.constant 0 : i32
      %dma_start3A_6 = tpu.memref_slice %arg4[%arg1, %dma_start3A] : memref<16x10240xf32, #tpu.memory_space<hbm>> -> memref<1x10240xf32, #tpu.memory_space<hbm>>
      %dma_start3A_7 = tpu.memref_squeeze %dma_start3A_6 : memref<1x10240xf32, #tpu.memory_space<hbm>> -> memref<10240xf32, #tpu.memory_space<hbm>>
      %dma_start3A_8 = arith.constant 0 : i32
      %dma_start3A_9 = tpu.memref_slice %arg4[%arg1, %dma_start3A_8] : memref<16x10240xf32, #tpu.memory_space<hbm>> -> memref<1x10240xf32, #tpu.memory_space<hbm>>
      %dma_start3A_10 = tpu.memref_squeeze %dma_start3A_9 : memref<1x10240xf32, #tpu.memory_space<hbm>> -> memref<10240xf32, #tpu.memory_space<hbm>>
      tpu.enqueue_dma source(%arg6 : memref<10240xf32, #tpu.memory_space<vmem>>) target(%dma_start3A_10 : memref<10240xf32, #tpu.memory_space<hbm>>) target_semaphore(%run_scoped3A : memref<!tpu.dma_semaphore, #tpu.memory_space<semaphore_mem>>)
      %dma_wait3A = arith.constant 0 : i32
      %dma_wait3A_11 = tpu.memref_slice %arg4[%arg1, %dma_wait3A] : memref<16x10240xf32, #tpu.memory_space<hbm>> -> memref<1x10240xf32, #tpu.memory_space<hbm>>
      %dma_wait3A_12 = tpu.memref_squeeze %dma_wait3A_11 : memref<1x10240xf32, #tpu.memory_space<hbm>> -> memref<10240xf32, #tpu.memory_space<hbm>>
      %dma_wait3A_13 = arith.constant 0 : i32
      %dma_wait3A_14 = tpu.memref_slice %arg4[%arg1, %dma_wait3A_13] : memref<16x10240xf32, #tpu.memory_space<hbm>> -> memref<1x10240xf32, #tpu.memory_space<hbm>>
      %dma_wait3A_15 = tpu.memref_squeeze %dma_wait3A_14 : memref<1x10240xf32, #tpu.memory_space<hbm>> -> memref<10240xf32, #tpu.memory_space<hbm>>
      tpu.wait_dma2 semaphore(%run_scoped3A : memref<!tpu.dma_semaphore, #tpu.memory_space<semaphore_mem>>) src(%arg6 : memref<10240xf32, #tpu.memory_space<vmem>>) dst(%dma_wait3A_15 : memref<10240xf32, #tpu.memory_space<hbm>>)
      tpu.yield
    }) : () -> ()
    return
  }
}

#map = affine_map<(d0, d1) -> (0, 0)>
#map1 = affine_map<(d0, d1) -> (0, 0, 0, 0)>
#map2 = affine_map<(d0, d1) -> (0, 0, 0)>
module attributes {stable_mosaic.version = 14 : i64} {
  func.func @_sc_agg(%arg0: i32, %arg1: i32, %arg2: memref<10240x128xf32, #tpu.memory_space<hbm>>, %arg3: memref<2x16x95x128xi32, #tpu.memory_space<hbm>>, %arg4: memref<2x16x12160xi32, #tpu.memory_space<hbm>>, %arg5: memref<128x128xf32, #tpu.memory_space<hbm>>, %arg6: memref<2x10240x128xf32, #tpu.memory_space<hbm>>, %arg7: memref<95x128xi32, #tpu.memory_space<vmem>>, %arg8: memref<12160xi32, #tpu.memory_space<vmem>>, %arg9: memref<1x128xi32, #tpu.memory_space<vmem>>, %arg10: memref<128x128xf32, #tpu.memory_space<vmem>>, %arg11: memref<128x128xf32, #tpu.memory_space<vmem>>, %arg12: memref<5248x128xf32, #tpu.memory_space<vmem_shared>>, %arg13: memref<!tpu.dma_semaphore, #tpu.memory_space<semaphore_mem>>) attributes {dimension_semantics = [#tpu.dimension_semantics<core_parallel>, #tpu.dimension_semantics<subcore_parallel>], iteration_bounds = array<i64: 2, 16>, scalar_prefetch = 0 : i64, scratch_operands = 7 : i64, tpu.core_type = #tpu.core_type<sc_vector_subcore>, window_params = [{transform_indices = #map}, {transform_indices = #map1}, {transform_indices = #map2}, {transform_indices = #map}, {transform_indices = #map2}]} {
    "tpu.region"() ({
      %run_scoped3A = tpu.sem_alloc : memref<!tpu.dma_semaphore, #tpu.memory_space<semaphore_mem>>
      %dma_start3A = arith.constant 0 : i32
      %dma_start3A_52 = arith.constant 0 : i32
      %dma_start3A_53 = tpu.memref_slice %arg3[%arg0, %arg1, %dma_start3A, %dma_start3A_52] : memref<2x16x95x128xi32, #tpu.memory_space<hbm>> -> memref<1x1x95x128xi32, #tpu.memory_space<hbm>>
      %dma_start3A_54 = tpu.memref_squeeze %dma_start3A_53 : memref<1x1x95x128xi32, #tpu.memory_space<hbm>> -> memref<95x128xi32, #tpu.memory_space<hbm>>
      %dma_start3A_55 = arith.constant 0 : i32
      %dma_start3A_56 = arith.constant 0 : i32
      %dma_start3A_57 = tpu.memref_slice %arg3[%arg0, %arg1, %dma_start3A_55, %dma_start3A_56] : memref<2x16x95x128xi32, #tpu.memory_space<hbm>> -> memref<1x1x95x128xi32, #tpu.memory_space<hbm>>
      %dma_start3A_58 = tpu.memref_squeeze %dma_start3A_57 : memref<1x1x95x128xi32, #tpu.memory_space<hbm>> -> memref<95x128xi32, #tpu.memory_space<hbm>>
      tpu.enqueue_dma source(%dma_start3A_58 : memref<95x128xi32, #tpu.memory_space<hbm>>) target(%arg7 : memref<95x128xi32, #tpu.memory_space<vmem>>) target_semaphore(%run_scoped3A : memref<!tpu.dma_semaphore, #tpu.memory_space<semaphore_mem>>)
      %dma_wait3A = arith.constant 0 : i32
      %dma_wait3A_59 = arith.constant 0 : i32
      %dma_wait3A_60 = tpu.memref_slice %arg3[%arg0, %arg1, %dma_wait3A, %dma_wait3A_59] : memref<2x16x95x128xi32, #tpu.memory_space<hbm>> -> memref<1x1x95x128xi32, #tpu.memory_space<hbm>>
      %dma_wait3A_61 = tpu.memref_squeeze %dma_wait3A_60 : memref<1x1x95x128xi32, #tpu.memory_space<hbm>> -> memref<95x128xi32, #tpu.memory_space<hbm>>
      %dma_wait3A_62 = arith.constant 0 : i32
      %dma_wait3A_63 = arith.constant 0 : i32
      %dma_wait3A_64 = tpu.memref_slice %arg3[%arg0, %arg1, %dma_wait3A_62, %dma_wait3A_63] : memref<2x16x95x128xi32, #tpu.memory_space<hbm>> -> memref<1x1x95x128xi32, #tpu.memory_space<hbm>>
      %dma_wait3A_65 = tpu.memref_squeeze %dma_wait3A_64 : memref<1x1x95x128xi32, #tpu.memory_space<hbm>> -> memref<95x128xi32, #tpu.memory_space<hbm>>
      tpu.wait_dma2 semaphore(%run_scoped3A : memref<!tpu.dma_semaphore, #tpu.memory_space<semaphore_mem>>) src(%dma_wait3A_65 : memref<95x128xi32, #tpu.memory_space<hbm>>) dst(%arg7 : memref<95x128xi32, #tpu.memory_space<vmem>>)
      tpu.yield
    }) : () -> ()
    "tpu.region"() ({
      %run_scoped3A = tpu.sem_alloc : memref<!tpu.dma_semaphore, #tpu.memory_space<semaphore_mem>>
      %dma_start3A = arith.constant 0 : i32
      %dma_start3A_52 = tpu.memref_slice %arg4[%arg0, %arg1, %dma_start3A] : memref<2x16x12160xi32, #tpu.memory_space<hbm>> -> memref<1x1x12160xi32, #tpu.memory_space<hbm>>
      %dma_start3A_53 = tpu.memref_squeeze %dma_start3A_52 : memref<1x1x12160xi32, #tpu.memory_space<hbm>> -> memref<12160xi32, #tpu.memory_space<hbm>>
      %dma_start3A_54 = arith.constant 0 : i32
      %dma_start3A_55 = tpu.memref_slice %arg4[%arg0, %arg1, %dma_start3A_54] : memref<2x16x12160xi32, #tpu.memory_space<hbm>> -> memref<1x1x12160xi32, #tpu.memory_space<hbm>>
      %dma_start3A_56 = tpu.memref_squeeze %dma_start3A_55 : memref<1x1x12160xi32, #tpu.memory_space<hbm>> -> memref<12160xi32, #tpu.memory_space<hbm>>
      tpu.enqueue_dma source(%dma_start3A_56 : memref<12160xi32, #tpu.memory_space<hbm>>) target(%arg8 : memref<12160xi32, #tpu.memory_space<vmem>>) target_semaphore(%run_scoped3A : memref<!tpu.dma_semaphore, #tpu.memory_space<semaphore_mem>>)
      %dma_wait3A = arith.constant 0 : i32
      %dma_wait3A_57 = tpu.memref_slice %arg4[%arg0, %arg1, %dma_wait3A] : memref<2x16x12160xi32, #tpu.memory_space<hbm>> -> memref<1x1x12160xi32, #tpu.memory_space<hbm>>
      %dma_wait3A_58 = tpu.memref_squeeze %dma_wait3A_57 : memref<1x1x12160xi32, #tpu.memory_space<hbm>> -> memref<12160xi32, #tpu.memory_space<hbm>>
      %dma_wait3A_59 = arith.constant 0 : i32
      %dma_wait3A_60 = tpu.memref_slice %arg4[%arg0, %arg1, %dma_wait3A_59] : memref<2x16x12160xi32, #tpu.memory_space<hbm>> -> memref<1x1x12160xi32, #tpu.memory_space<hbm>>
      %dma_wait3A_61 = tpu.memref_squeeze %dma_wait3A_60 : memref<1x1x12160xi32, #tpu.memory_space<hbm>> -> memref<12160xi32, #tpu.memory_space<hbm>>
      tpu.wait_dma2 semaphore(%run_scoped3A : memref<!tpu.dma_semaphore, #tpu.memory_space<semaphore_mem>>) src(%dma_wait3A_61 : memref<12160xi32, #tpu.memory_space<hbm>>) dst(%arg8 : memref<12160xi32, #tpu.memory_space<vmem>>)
      tpu.yield
    }) : () -> ()
    "tpu.region"() ({
      %run_scoped3A = tpu.sem_alloc : memref<!tpu.dma_semaphore, #tpu.memory_space<semaphore_mem>>
      tpu.enqueue_dma source(%arg5 : memref<128x128xf32, #tpu.memory_space<hbm>>) target(%arg11 : memref<128x128xf32, #tpu.memory_space<vmem>>) target_semaphore(%run_scoped3A : memref<!tpu.dma_semaphore, #tpu.memory_space<semaphore_mem>>)
      tpu.wait_dma2 semaphore(%run_scoped3A : memref<!tpu.dma_semaphore, #tpu.memory_space<semaphore_mem>>) src(%arg5 : memref<128x128xf32, #tpu.memory_space<hbm>>) dst(%arg11 : memref<128x128xf32, #tpu.memory_space<vmem>>)
      tpu.yield
    }) : () -> ()
    %eq3A = arith.constant 0 : i32
    %eq3A_0 = arith.cmpi eq, %arg0, %eq3A : i32
    %jit3A = arith.constant 95 : i32
    %jit3A_1 = arith.constant 62 : i32
    %select_n3A = arith.select %eq3A_0, %jit3A, %jit3A_1 : i32
    %mul3A = arith.constant 328 : i32
    %mul3A_2 = arith.muli %arg1, %mul3A : i32
    %add3A = arith.constant 0 : i32
    %add3A_3 = arith.addi %mul3A_2, %add3A : i32
    "tpu.region"() ({
      %run_scoped3A = tpu.sem_alloc : memref<!tpu.dma_semaphore, #tpu.memory_space<semaphore_mem>>
      %dma_start3A = arith.constant 0 : i32
      %dma_start3A_52 = arith.constant 0 : i32
      %dma_start3A_53 = tpu.memref_slice %arg11[%dma_start3A, %dma_start3A_52] : memref<128x128xf32, #tpu.memory_space<vmem>> -> memref<128x128xf32, #tpu.memory_space<vmem>>
      %dma_start3A_54 = arith.constant 0 : i32
      %dma_start3A_55 = tpu.memref_slice %arg12[%add3A_3, %dma_start3A_54] : memref<5248x128xf32, #tpu.memory_space<vmem_shared>> -> memref<128x128xf32, #tpu.memory_space<vmem_shared>>
      %dma_start3A_56 = arith.constant 0 : i32
      %dma_start3A_57 = tpu.memref_slice %arg12[%add3A_3, %dma_start3A_56] : memref<5248x128xf32, #tpu.memory_space<vmem_shared>> -> memref<128x128xf32, #tpu.memory_space<vmem_shared>>
      %dma_start3A_58 = arith.constant 0 : i32
      %dma_start3A_59 = arith.constant 0 : i32
      %dma_start3A_60 = tpu.memref_slice %arg11[%dma_start3A_58, %dma_start3A_59] : memref<128x128xf32, #tpu.memory_space<vmem>> -> memref<128x128xf32, #tpu.memory_space<vmem>>
      tpu.enqueue_dma source(%dma_start3A_60 : memref<128x128xf32, #tpu.memory_space<vmem>>) target(%dma_start3A_57 : memref<128x128xf32, #tpu.memory_space<vmem_shared>>) target_semaphore(%run_scoped3A : memref<!tpu.dma_semaphore, #tpu.memory_space<semaphore_mem>>)
      %dma_wait3A = arith.constant 0 : i32
      %dma_wait3A_61 = arith.constant 0 : i32
      %dma_wait3A_62 = tpu.memref_slice %arg11[%dma_wait3A, %dma_wait3A_61] : memref<128x128xf32, #tpu.memory_space<vmem>> -> memref<128x128xf32, #tpu.memory_space<vmem>>
      %dma_wait3A_63 = arith.constant 0 : i32
      %dma_wait3A_64 = tpu.memref_slice %arg12[%add3A_3, %dma_wait3A_63] : memref<5248x128xf32, #tpu.memory_space<vmem_shared>> -> memref<128x128xf32, #tpu.memory_space<vmem_shared>>
      %dma_wait3A_65 = arith.constant 0 : i32
      %dma_wait3A_66 = tpu.memref_slice %arg12[%add3A_3, %dma_wait3A_65] : memref<5248x128xf32, #tpu.memory_space<vmem_shared>> -> memref<128x128xf32, #tpu.memory_space<vmem_shared>>
      %dma_wait3A_67 = arith.constant 0 : i32
      %dma_wait3A_68 = arith.constant 0 : i32
      %dma_wait3A_69 = tpu.memref_slice %arg11[%dma_wait3A_67, %dma_wait3A_68] : memref<128x128xf32, #tpu.memory_space<vmem>> -> memref<128x128xf32, #tpu.memory_space<vmem>>
      tpu.wait_dma2 semaphore(%run_scoped3A : memref<!tpu.dma_semaphore, #tpu.memory_space<semaphore_mem>>) src(%dma_wait3A_69 : memref<128x128xf32, #tpu.memory_space<vmem>>) dst(%dma_wait3A_66 : memref<128x128xf32, #tpu.memory_space<vmem_shared>>)
      tpu.yield
    }) : () -> ()
    %add3A_4 = arith.constant 128 : i32
    %add3A_5 = arith.addi %mul3A_2, %add3A_4 : i32
    "tpu.region"() ({
      %run_scoped3A = tpu.sem_alloc : memref<!tpu.dma_semaphore, #tpu.memory_space<semaphore_mem>>
      %dma_start3A = arith.constant 0 : i32
      %dma_start3A_52 = arith.constant 0 : i32
      %dma_start3A_53 = tpu.memref_slice %arg11[%dma_start3A, %dma_start3A_52] : memref<128x128xf32, #tpu.memory_space<vmem>> -> memref<128x128xf32, #tpu.memory_space<vmem>>
      %dma_start3A_54 = arith.constant 0 : i32
      %dma_start3A_55 = tpu.memref_slice %arg12[%add3A_5, %dma_start3A_54] : memref<5248x128xf32, #tpu.memory_space<vmem_shared>> -> memref<128x128xf32, #tpu.memory_space<vmem_shared>>
      %dma_start3A_56 = arith.constant 0 : i32
      %dma_start3A_57 = tpu.memref_slice %arg12[%add3A_5, %dma_start3A_56] : memref<5248x128xf32, #tpu.memory_space<vmem_shared>> -> memref<128x128xf32, #tpu.memory_space<vmem_shared>>
      %dma_start3A_58 = arith.constant 0 : i32
      %dma_start3A_59 = arith.constant 0 : i32
      %dma_start3A_60 = tpu.memref_slice %arg11[%dma_start3A_58, %dma_start3A_59] : memref<128x128xf32, #tpu.memory_space<vmem>> -> memref<128x128xf32, #tpu.memory_space<vmem>>
      tpu.enqueue_dma source(%dma_start3A_60 : memref<128x128xf32, #tpu.memory_space<vmem>>) target(%dma_start3A_57 : memref<128x128xf32, #tpu.memory_space<vmem_shared>>) target_semaphore(%run_scoped3A : memref<!tpu.dma_semaphore, #tpu.memory_space<semaphore_mem>>)
      %dma_wait3A = arith.constant 0 : i32
      %dma_wait3A_61 = arith.constant 0 : i32
      %dma_wait3A_62 = tpu.memref_slice %arg11[%dma_wait3A, %dma_wait3A_61] : memref<128x128xf32, #tpu.memory_space<vmem>> -> memref<128x128xf32, #tpu.memory_space<vmem>>
      %dma_wait3A_63 = arith.constant 0 : i32
      %dma_wait3A_64 = tpu.memref_slice %arg12[%add3A_5, %dma_wait3A_63] : memref<5248x128xf32, #tpu.memory_space<vmem_shared>> -> memref<128x128xf32, #tpu.memory_space<vmem_shared>>
      %dma_wait3A_65 = arith.constant 0 : i32
      %dma_wait3A_66 = tpu.memref_slice %arg12[%add3A_5, %dma_wait3A_65] : memref<5248x128xf32, #tpu.memory_space<vmem_shared>> -> memref<128x128xf32, #tpu.memory_space<vmem_shared>>
      %dma_wait3A_67 = arith.constant 0 : i32
      %dma_wait3A_68 = arith.constant 0 : i32
      %dma_wait3A_69 = tpu.memref_slice %arg11[%dma_wait3A_67, %dma_wait3A_68] : memref<128x128xf32, #tpu.memory_space<vmem>> -> memref<128x128xf32, #tpu.memory_space<vmem>>
      tpu.wait_dma2 semaphore(%run_scoped3A : memref<!tpu.dma_semaphore, #tpu.memory_space<semaphore_mem>>) src(%dma_wait3A_69 : memref<128x128xf32, #tpu.memory_space<vmem>>) dst(%dma_wait3A_66 : memref<128x128xf32, #tpu.memory_space<vmem_shared>>)
      tpu.yield
    }) : () -> ()
    %add3A_6 = arith.constant 256 : i32
    %add3A_7 = arith.addi %mul3A_2, %add3A_6 : i32
    "tpu.region"() ({
      %run_scoped3A = tpu.sem_alloc : memref<!tpu.dma_semaphore, #tpu.memory_space<semaphore_mem>>
      %dma_start3A = arith.constant 0 : i32
      %dma_start3A_52 = arith.constant 0 : i32
      %dma_start3A_53 = tpu.memref_slice %arg11[%dma_start3A, %dma_start3A_52] : memref<128x128xf32, #tpu.memory_space<vmem>> -> memref<72x128xf32, #tpu.memory_space<vmem>>
      %dma_start3A_54 = arith.constant 0 : i32
      %dma_start3A_55 = tpu.memref_slice %arg12[%add3A_7, %dma_start3A_54] : memref<5248x128xf32, #tpu.memory_space<vmem_shared>> -> memref<72x128xf32, #tpu.memory_space<vmem_shared>>
      %dma_start3A_56 = arith.constant 0 : i32
      %dma_start3A_57 = tpu.memref_slice %arg12[%add3A_7, %dma_start3A_56] : memref<5248x128xf32, #tpu.memory_space<vmem_shared>> -> memref<72x128xf32, #tpu.memory_space<vmem_shared>>
      %dma_start3A_58 = arith.constant 0 : i32
      %dma_start3A_59 = arith.constant 0 : i32
      %dma_start3A_60 = tpu.memref_slice %arg11[%dma_start3A_58, %dma_start3A_59] : memref<128x128xf32, #tpu.memory_space<vmem>> -> memref<72x128xf32, #tpu.memory_space<vmem>>
      tpu.enqueue_dma source(%dma_start3A_60 : memref<72x128xf32, #tpu.memory_space<vmem>>) target(%dma_start3A_57 : memref<72x128xf32, #tpu.memory_space<vmem_shared>>) target_semaphore(%run_scoped3A : memref<!tpu.dma_semaphore, #tpu.memory_space<semaphore_mem>>)
      %dma_wait3A = arith.constant 0 : i32
      %dma_wait3A_61 = arith.constant 0 : i32
      %dma_wait3A_62 = tpu.memref_slice %arg11[%dma_wait3A, %dma_wait3A_61] : memref<128x128xf32, #tpu.memory_space<vmem>> -> memref<72x128xf32, #tpu.memory_space<vmem>>
      %dma_wait3A_63 = arith.constant 0 : i32
      %dma_wait3A_64 = tpu.memref_slice %arg12[%add3A_7, %dma_wait3A_63] : memref<5248x128xf32, #tpu.memory_space<vmem_shared>> -> memref<72x128xf32, #tpu.memory_space<vmem_shared>>
      %dma_wait3A_65 = arith.constant 0 : i32
      %dma_wait3A_66 = tpu.memref_slice %arg12[%add3A_7, %dma_wait3A_65] : memref<5248x128xf32, #tpu.memory_space<vmem_shared>> -> memref<72x128xf32, #tpu.memory_space<vmem_shared>>
      %dma_wait3A_67 = arith.constant 0 : i32
      %dma_wait3A_68 = arith.constant 0 : i32
      %dma_wait3A_69 = tpu.memref_slice %arg11[%dma_wait3A_67, %dma_wait3A_68] : memref<128x128xf32, #tpu.memory_space<vmem>> -> memref<72x128xf32, #tpu.memory_space<vmem>>
      tpu.wait_dma2 semaphore(%run_scoped3A : memref<!tpu.dma_semaphore, #tpu.memory_space<semaphore_mem>>) src(%dma_wait3A_69 : memref<72x128xf32, #tpu.memory_space<vmem>>) dst(%dma_wait3A_66 : memref<72x128xf32, #tpu.memory_space<vmem_shared>>)
      tpu.yield
    }) : () -> ()
    %barrier3A = arith.constant 0 : index
    tpu.barrier barrier_id(%barrier3A)
    %while3A = arith.constant 0 : i32
    %while3A_8 = arith.constant 0 : i32
    %while3A_9 = arith.subi %select_n3A, %while3A_8 : i32
    %while3A_10 = arith.addi %while3A_8, %while3A_9 : i32
    %while3A_11 = arith.constant 1 : i32
    %while3A_12 = arith.divsi %while3A_9, %while3A_11 : i32
    %while3A_13 = arith.muli %while3A_12, %while3A_11 : i32
    %while3A_14 = arith.addi %while3A_8, %while3A_13 : i32
    %while3A_15 = arith.constant 1 : i32
    scf.for %while3A_52 = %while3A_8 to %while3A_14 step %while3A_15  : i32 {
      %mul3A_53 = arith.constant 128 : i32
      %mul3A_54 = arith.muli %while3A_52, %mul3A_53 : i32
      %add3A_55 = arith.constant 0 : i32
      %add3A_56 = arith.addi %mul3A_54, %add3A_55 : i32
      %get3A = arith.index_cast %add3A_56 : i32 to index
      %get3A_57 = tpu.vector_load %arg8[%get3A] {strides = array<i32>} : memref<12160xi32, #tpu.memory_space<vmem>>, vector<16xi32>,
      %get3A_58 = vector.shape_cast %get3A_57 : vector<16xi32> to vector<16xi32>
      %sub3A = arith.constant 0 : i32
      %sub3A_59 = vector.broadcast %sub3A : i32 to vector<16xi32>
      %sub3A_60 = arith.subi %get3A_58, %sub3A_59 : vector<16xi32>
      %ge3A = arith.constant 0 : i32
      %ge3A_61 = vector.broadcast %ge3A : i32 to vector<16xi32>
      %ge3A_62 = arith.cmpi sge, %sub3A_60, %ge3A_61 : vector<16xi32>
      %lt3A = arith.constant 5120 : i32
      %lt3A_63 = vector.broadcast %lt3A : i32 to vector<16xi32>
      %lt3A_64 = arith.cmpi slt, %sub3A_60, %lt3A_63 : vector<16xi32>
      %and3A = arith.andi %ge3A_62, %lt3A_64 : vector<16xi1>
      %jit3A_65 = arith.constant 5120 : i32
      %broadcast_in_dim3A = vector.broadcast %jit3A_65 : i32 to vector<16xi32>
      %select_n3A_66 = arith.select %and3A, %sub3A_60, %broadcast_in_dim3A : vector<16xi1>, vector<16xi32>
      %swap3A = arith.constant 0 : i32
      %swap3A_67 = arith.index_cast %swap3A : i32 to index
      %swap3A_68 = arith.constant 0 : index
      %swap3A_69 = tpu.vector_load %arg9[%swap3A_67, %swap3A_68] {strides = array<i32>} : memref<1x128xi32, #tpu.memory_space<vmem>>, vector<1x16xi32>,
      %swap3A_70 = vector.shape_cast %swap3A_69 : vector<1x16xi32> to vector<16xi32>
      %swap3A_71 = vector.shape_cast %select_n3A_66 : vector<16xi32> to vector<1x16xi32>
      tpu.vector_store %arg9[%swap3A_67, %swap3A_68], %swap3A_71 {strides = array<i32>} : memref<1x128xi32, #tpu.memory_space<vmem>>, vector<1x16xi32>,
      %mul3A_72 = arith.constant 128 : i32
      %mul3A_73 = arith.muli %while3A_52, %mul3A_72 : i32
      %add3A_74 = arith.constant 16 : i32
      %add3A_75 = arith.addi %mul3A_73, %add3A_74 : i32
      %get3A_76 = arith.index_cast %add3A_75 : i32 to index
      %get3A_77 = tpu.vector_load %arg8[%get3A_76] {strides = array<i32>} : memref<12160xi32, #tpu.memory_space<vmem>>, vector<16xi32>,
      %get3A_78 = vector.shape_cast %get3A_77 : vector<16xi32> to vector<16xi32>
      %sub3A_79 = arith.constant 0 : i32
      %sub3A_80 = vector.broadcast %sub3A_79 : i32 to vector<16xi32>
      %sub3A_81 = arith.subi %get3A_78, %sub3A_80 : vector<16xi32>
      %ge3A_82 = arith.constant 0 : i32
      %ge3A_83 = vector.broadcast %ge3A_82 : i32 to vector<16xi32>
      %ge3A_84 = arith.cmpi sge, %sub3A_81, %ge3A_83 : vector<16xi32>
      %lt3A_85 = arith.constant 5120 : i32
      %lt3A_86 = vector.broadcast %lt3A_85 : i32 to vector<16xi32>
      %lt3A_87 = arith.cmpi slt, %sub3A_81, %lt3A_86 : vector<16xi32>
      %and3A_88 = arith.andi %ge3A_84, %lt3A_87 : vector<16xi1>
      %jit3A_89 = arith.constant 5120 : i32
      %broadcast_in_dim3A_90 = vector.broadcast %jit3A_89 : i32 to vector<16xi32>
      %select_n3A_91 = arith.select %and3A_88, %sub3A_81, %broadcast_in_dim3A_90 : vector<16xi1>, vector<16xi32>
      %swap3A_92 = arith.constant 0 : i32
      %swap3A_93 = arith.index_cast %swap3A_92 : i32 to index
      %swap3A_94 = arith.constant 16 : index
      %swap3A_95 = tpu.vector_load %arg9[%swap3A_93, %swap3A_94] {strides = array<i32>} : memref<1x128xi32, #tpu.memory_space<vmem>>, vector<1x16xi32>,
      %swap3A_96 = vector.shape_cast %swap3A_95 : vector<1x16xi32> to vector<16xi32>
      %swap3A_97 = vector.shape_cast %select_n3A_91 : vector<16xi32> to vector<1x16xi32>
      tpu.vector_store %arg9[%swap3A_93, %swap3A_94], %swap3A_97 {strides = array<i32>} : memref<1x128xi32, #tpu.memory_space<vmem>>, vector<1x16xi32>,
      %mul3A_98 = arith.constant 128 : i32
      %mul3A_99 = arith.muli %while3A_52, %mul3A_98 : i32
      %add3A_100 = arith.constant 32 : i32
      %add3A_101 = arith.addi %mul3A_99, %add3A_100 : i32
      %get3A_102 = arith.index_cast %add3A_101 : i32 to index
      %get3A_103 = tpu.vector_load %arg8[%get3A_102] {strides = array<i32>} : memref<12160xi32, #tpu.memory_space<vmem>>, vector<16xi32>,
      %get3A_104 = vector.shape_cast %get3A_103 : vector<16xi32> to vector<16xi32>
      %sub3A_105 = arith.constant 0 : i32
      %sub3A_106 = vector.broadcast %sub3A_105 : i32 to vector<16xi32>
      %sub3A_107 = arith.subi %get3A_104, %sub3A_106 : vector<16xi32>
      %ge3A_108 = arith.constant 0 : i32
      %ge3A_109 = vector.broadcast %ge3A_108 : i32 to vector<16xi32>
      %ge3A_110 = arith.cmpi sge, %sub3A_107, %ge3A_109 : vector<16xi32>
      %lt3A_111 = arith.constant 5120 : i32
      %lt3A_112 = vector.broadcast %lt3A_111 : i32 to vector<16xi32>
      %lt3A_113 = arith.cmpi slt, %sub3A_107, %lt3A_112 : vector<16xi32>
      %and3A_114 = arith.andi %ge3A_110, %lt3A_113 : vector<16xi1>
      %jit3A_115 = arith.constant 5120 : i32
      %broadcast_in_dim3A_116 = vector.broadcast %jit3A_115 : i32 to vector<16xi32>
      %select_n3A_117 = arith.select %and3A_114, %sub3A_107, %broadcast_in_dim3A_116 : vector<16xi1>, vector<16xi32>
      %swap3A_118 = arith.constant 0 : i32
      %swap3A_119 = arith.index_cast %swap3A_118 : i32 to index
      %swap3A_120 = arith.constant 32 : index
      %swap3A_121 = tpu.vector_load %arg9[%swap3A_119, %swap3A_120] {strides = array<i32>} : memref<1x128xi32, #tpu.memory_space<vmem>>, vector<1x16xi32>,
      %swap3A_122 = vector.shape_cast %swap3A_121 : vector<1x16xi32> to vector<16xi32>
      %swap3A_123 = vector.shape_cast %select_n3A_117 : vector<16xi32> to vector<1x16xi32>
      tpu.vector_store %arg9[%swap3A_119, %swap3A_120], %swap3A_123 {strides = array<i32>} : memref<1x128xi32, #tpu.memory_space<vmem>>, vector<1x16xi32>,
      %mul3A_124 = arith.constant 128 : i32
      %mul3A_125 = arith.muli %while3A_52, %mul3A_124 : i32
      %add3A_126 = arith.constant 48 : i32
      %add3A_127 = arith.addi %mul3A_125, %add3A_126 : i32
      %get3A_128 = arith.index_cast %add3A_127 : i32 to index
      %get3A_129 = tpu.vector_load %arg8[%get3A_128] {strides = array<i32>} : memref<12160xi32, #tpu.memory_space<vmem>>, vector<16xi32>,
      %get3A_130 = vector.shape_cast %get3A_129 : vector<16xi32> to vector<16xi32>
      %sub3A_131 = arith.constant 0 : i32
      %sub3A_132 = vector.broadcast %sub3A_131 : i32 to vector<16xi32>
      %sub3A_133 = arith.subi %get3A_130, %sub3A_132 : vector<16xi32>
      %ge3A_134 = arith.constant 0 : i32
      %ge3A_135 = vector.broadcast %ge3A_134 : i32 to vector<16xi32>
      %ge3A_136 = arith.cmpi sge, %sub3A_133, %ge3A_135 : vector<16xi32>
      %lt3A_137 = arith.constant 5120 : i32
      %lt3A_138 = vector.broadcast %lt3A_137 : i32 to vector<16xi32>
      %lt3A_139 = arith.cmpi slt, %sub3A_133, %lt3A_138 : vector<16xi32>
      %and3A_140 = arith.andi %ge3A_136, %lt3A_139 : vector<16xi1>
      %jit3A_141 = arith.constant 5120 : i32
      %broadcast_in_dim3A_142 = vector.broadcast %jit3A_141 : i32 to vector<16xi32>
      %select_n3A_143 = arith.select %and3A_140, %sub3A_133, %broadcast_in_dim3A_142 : vector<16xi1>, vector<16xi32>
      %swap3A_144 = arith.constant 0 : i32
      %swap3A_145 = arith.index_cast %swap3A_144 : i32 to index
      %swap3A_146 = arith.constant 48 : index
      %swap3A_147 = tpu.vector_load %arg9[%swap3A_145, %swap3A_146] {strides = array<i32>} : memref<1x128xi32, #tpu.memory_space<vmem>>, vector<1x16xi32>,
      %swap3A_148 = vector.shape_cast %swap3A_147 : vector<1x16xi32> to vector<16xi32>
      %swap3A_149 = vector.shape_cast %select_n3A_143 : vector<16xi32> to vector<1x16xi32>
      tpu.vector_store %arg9[%swap3A_145, %swap3A_146], %swap3A_149 {strides = array<i32>} : memref<1x128xi32, #tpu.memory_space<vmem>>, vector<1x16xi32>,
      %mul3A_150 = arith.constant 128 : i32
      %mul3A_151 = arith.muli %while3A_52, %mul3A_150 : i32
      %add3A_152 = arith.constant 64 : i32
      %add3A_153 = arith.addi %mul3A_151, %add3A_152 : i32
      %get3A_154 = arith.index_cast %add3A_153 : i32 to index
      %get3A_155 = tpu.vector_load %arg8[%get3A_154] {strides = array<i32>} : memref<12160xi32, #tpu.memory_space<vmem>>, vector<16xi32>,
      %get3A_156 = vector.shape_cast %get3A_155 : vector<16xi32> to vector<16xi32>
      %sub3A_157 = arith.constant 0 : i32
      %sub3A_158 = vector.broadcast %sub3A_157 : i32 to vector<16xi32>
      %sub3A_159 = arith.subi %get3A_156, %sub3A_158 : vector<16xi32>
      %ge3A_160 = arith.constant 0 : i32
      %ge3A_161 = vector.broadcast %ge3A_160 : i32 to vector<16xi32>
      %ge3A_162 = arith.cmpi sge, %sub3A_159, %ge3A_161 : vector<16xi32>
      %lt3A_163 = arith.constant 5120 : i32
      %lt3A_164 = vector.broadcast %lt3A_163 : i32 to vector<16xi32>
      %lt3A_165 = arith.cmpi slt, %sub3A_159, %lt3A_164 : vector<16xi32>
      %and3A_166 = arith.andi %ge3A_162, %lt3A_165 : vector<16xi1>
      %jit3A_167 = arith.constant 5120 : i32
      %broadcast_in_dim3A_168 = vector.broadcast %jit3A_167 : i32 to vector<16xi32>
      %select_n3A_169 = arith.select %and3A_166, %sub3A_159, %broadcast_in_dim3A_168 : vector<16xi1>, vector<16xi32>
      %swap3A_170 = arith.constant 0 : i32
      %swap3A_171 = arith.index_cast %swap3A_170 : i32 to index
      %swap3A_172 = arith.constant 64 : index
      %swap3A_173 = tpu.vector_load %arg9[%swap3A_171, %swap3A_172] {strides = array<i32>} : memref<1x128xi32, #tpu.memory_space<vmem>>, vector<1x16xi32>,
      %swap3A_174 = vector.shape_cast %swap3A_173 : vector<1x16xi32> to vector<16xi32>
      %swap3A_175 = vector.shape_cast %select_n3A_169 : vector<16xi32> to vector<1x16xi32>
      tpu.vector_store %arg9[%swap3A_171, %swap3A_172], %swap3A_175 {strides = array<i32>} : memref<1x128xi32, #tpu.memory_space<vmem>>, vector<1x16xi32>,
      %mul3A_176 = arith.constant 128 : i32
      %mul3A_177 = arith.muli %while3A_52, %mul3A_176 : i32
      %add3A_178 = arith.constant 80 : i32
      %add3A_179 = arith.addi %mul3A_177, %add3A_178 : i32
      %get3A_180 = arith.index_cast %add3A_179 : i32 to index
      %get3A_181 = tpu.vector_load %arg8[%get3A_180] {strides = array<i32>} : memref<12160xi32, #tpu.memory_space<vmem>>, vector<16xi32>,
      %get3A_182 = vector.shape_cast %get3A_181 : vector<16xi32> to vector<16xi32>
      %sub3A_183 = arith.constant 0 : i32
      %sub3A_184 = vector.broadcast %sub3A_183 : i32 to vector<16xi32>
      %sub3A_185 = arith.subi %get3A_182, %sub3A_184 : vector<16xi32>
      %ge3A_186 = arith.constant 0 : i32
      %ge3A_187 = vector.broadcast %ge3A_186 : i32 to vector<16xi32>
      %ge3A_188 = arith.cmpi sge, %sub3A_185, %ge3A_187 : vector<16xi32>
      %lt3A_189 = arith.constant 5120 : i32
      %lt3A_190 = vector.broadcast %lt3A_189 : i32 to vector<16xi32>
      %lt3A_191 = arith.cmpi slt, %sub3A_185, %lt3A_190 : vector<16xi32>
      %and3A_192 = arith.andi %ge3A_188, %lt3A_191 : vector<16xi1>
      %jit3A_193 = arith.constant 5120 : i32
      %broadcast_in_dim3A_194 = vector.broadcast %jit3A_193 : i32 to vector<16xi32>
      %select_n3A_195 = arith.select %and3A_192, %sub3A_185, %broadcast_in_dim3A_194 : vector<16xi1>, vector<16xi32>
      %swap3A_196 = arith.constant 0 : i32
      %swap3A_197 = arith.index_cast %swap3A_196 : i32 to index
      %swap3A_198 = arith.constant 80 : index
      %swap3A_199 = tpu.vector_load %arg9[%swap3A_197, %swap3A_198] {strides = array<i32>} : memref<1x128xi32, #tpu.memory_space<vmem>>, vector<1x16xi32>,
      %swap3A_200 = vector.shape_cast %swap3A_199 : vector<1x16xi32> to vector<16xi32>
      %swap3A_201 = vector.shape_cast %select_n3A_195 : vector<16xi32> to vector<1x16xi32>
      tpu.vector_store %arg9[%swap3A_197, %swap3A_198], %swap3A_201 {strides = array<i32>} : memref<1x128xi32, #tpu.memory_space<vmem>>, vector<1x16xi32>,
      %mul3A_202 = arith.constant 128 : i32
      %mul3A_203 = arith.muli %while3A_52, %mul3A_202 : i32
      %add3A_204 = arith.constant 96 : i32
      %add3A_205 = arith.addi %mul3A_203, %add3A_204 : i32
      %get3A_206 = arith.index_cast %add3A_205 : i32 to index
      %get3A_207 = tpu.vector_load %arg8[%get3A_206] {strides = array<i32>} : memref<12160xi32, #tpu.memory_space<vmem>>, vector<16xi32>,
      %get3A_208 = vector.shape_cast %get3A_207 : vector<16xi32> to vector<16xi32>
      %sub3A_209 = arith.constant 0 : i32
      %sub3A_210 = vector.broadcast %sub3A_209 : i32 to vector<16xi32>
      %sub3A_211 = arith.subi %get3A_208, %sub3A_210 : vector<16xi32>
      %ge3A_212 = arith.constant 0 : i32
      %ge3A_213 = vector.broadcast %ge3A_212 : i32 to vector<16xi32>
      %ge3A_214 = arith.cmpi sge, %sub3A_211, %ge3A_213 : vector<16xi32>
      %lt3A_215 = arith.constant 5120 : i32
      %lt3A_216 = vector.broadcast %lt3A_215 : i32 to vector<16xi32>
      %lt3A_217 = arith.cmpi slt, %sub3A_211, %lt3A_216 : vector<16xi32>
      %and3A_218 = arith.andi %ge3A_214, %lt3A_217 : vector<16xi1>
      %jit3A_219 = arith.constant 5120 : i32
      %broadcast_in_dim3A_220 = vector.broadcast %jit3A_219 : i32 to vector<16xi32>
      %select_n3A_221 = arith.select %and3A_218, %sub3A_211, %broadcast_in_dim3A_220 : vector<16xi1>, vector<16xi32>
      %swap3A_222 = arith.constant 0 : i32
      %swap3A_223 = arith.index_cast %swap3A_222 : i32 to index
      %swap3A_224 = arith.constant 96 : index
      %swap3A_225 = tpu.vector_load %arg9[%swap3A_223, %swap3A_224] {strides = array<i32>} : memref<1x128xi32, #tpu.memory_space<vmem>>, vector<1x16xi32>,
      %swap3A_226 = vector.shape_cast %swap3A_225 : vector<1x16xi32> to vector<16xi32>
      %swap3A_227 = vector.shape_cast %select_n3A_221 : vector<16xi32> to vector<1x16xi32>
      tpu.vector_store %arg9[%swap3A_223, %swap3A_224], %swap3A_227 {strides = array<i32>} : memref<1x128xi32, #tpu.memory_space<vmem>>, vector<1x16xi32>,
      %mul3A_228 = arith.constant 128 : i32
      %mul3A_229 = arith.muli %while3A_52, %mul3A_228 : i32
      %add3A_230 = arith.constant 112 : i32
      %add3A_231 = arith.addi %mul3A_229, %add3A_230 : i32
      %get3A_232 = arith.index_cast %add3A_231 : i32 to index
      %get3A_233 = tpu.vector_load %arg8[%get3A_232] {strides = array<i32>} : memref<12160xi32, #tpu.memory_space<vmem>>, vector<16xi32>,
      %get3A_234 = vector.shape_cast %get3A_233 : vector<16xi32> to vector<16xi32>
      %sub3A_235 = arith.constant 0 : i32
      %sub3A_236 = vector.broadcast %sub3A_235 : i32 to vector<16xi32>
      %sub3A_237 = arith.subi %get3A_234, %sub3A_236 : vector<16xi32>
      %ge3A_238 = arith.constant 0 : i32
      %ge3A_239 = vector.broadcast %ge3A_238 : i32 to vector<16xi32>
      %ge3A_240 = arith.cmpi sge, %sub3A_237, %ge3A_239 : vector<16xi32>
      %lt3A_241 = arith.constant 5120 : i32
      %lt3A_242 = vector.broadcast %lt3A_241 : i32 to vector<16xi32>
      %lt3A_243 = arith.cmpi slt, %sub3A_237, %lt3A_242 : vector<16xi32>
      %and3A_244 = arith.andi %ge3A_240, %lt3A_243 : vector<16xi1>
      %jit3A_245 = arith.constant 5120 : i32
      %broadcast_in_dim3A_246 = vector.broadcast %jit3A_245 : i32 to vector<16xi32>
      %select_n3A_247 = arith.select %and3A_244, %sub3A_237, %broadcast_in_dim3A_246 : vector<16xi1>, vector<16xi32>
      %swap3A_248 = arith.constant 0 : i32
      %swap3A_249 = arith.index_cast %swap3A_248 : i32 to index
      %swap3A_250 = arith.constant 112 : index
      %swap3A_251 = tpu.vector_load %arg9[%swap3A_249, %swap3A_250] {strides = array<i32>} : memref<1x128xi32, #tpu.memory_space<vmem>>, vector<1x16xi32>,
      %swap3A_252 = vector.shape_cast %swap3A_251 : vector<1x16xi32> to vector<16xi32>
      %swap3A_253 = vector.shape_cast %select_n3A_247 : vector<16xi32> to vector<1x16xi32>
      tpu.vector_store %arg9[%swap3A_249, %swap3A_250], %swap3A_253 {strides = array<i32>} : memref<1x128xi32, #tpu.memory_space<vmem>>, vector<1x16xi32>,
      %dma_start3A = arith.constant 0 : i32
      %dma_start3A_254 = tpu.memref_slice %arg7[%while3A_52, %dma_start3A] : memref<95x128xi32, #tpu.memory_space<vmem>> -> memref<1x128xi32, #tpu.memory_space<vmem>>
      %dma_start3A_255 = tpu.memref_squeeze %dma_start3A_254 : memref<1x128xi32, #tpu.memory_space<vmem>> -> memref<128xi32, #tpu.memory_space<vmem>>
      %dma_start3A_256 = arith.constant 0 : i32
      %dma_start3A_257 = arith.constant 0 : i32
      %dma_start3A_258 = tpu.memref_slice %arg2[%dma_start3A_256, %dma_start3A_257] : memref<10240x128xf32, #tpu.memory_space<hbm>> -> memref<10240x128xf32, #tpu.memory_space<hbm>>
      tpu.enqueue_indirect_dma source(%dma_start3A_258 : memref<10240x128xf32, #tpu.memory_space<hbm>>) target(%arg10 : memref<128x128xf32, #tpu.memory_space<vmem>>) offsets(%dma_start3A_255 : memref<128xi32, #tpu.memory_space<vmem>>) semaphore(%arg13 : memref<!tpu.dma_semaphore, #tpu.memory_space<semaphore_mem>>)
      %dma_wait3A = arith.constant 0 : i32
      %dma_wait3A_259 = tpu.memref_slice %arg7[%while3A_52, %dma_wait3A] : memref<95x128xi32, #tpu.memory_space<vmem>> -> memref<1x128xi32, #tpu.memory_space<vmem>>
      %dma_wait3A_260 = tpu.memref_squeeze %dma_wait3A_259 : memref<1x128xi32, #tpu.memory_space<vmem>> -> memref<128xi32, #tpu.memory_space<vmem>>
      %dma_wait3A_261 = arith.constant 0 : i32
      %dma_wait3A_262 = arith.constant 0 : i32
      %dma_wait3A_263 = tpu.memref_slice %arg2[%dma_wait3A_261, %dma_wait3A_262] : memref<10240x128xf32, #tpu.memory_space<hbm>> -> memref<10240x128xf32, #tpu.memory_space<hbm>>
      tpu.wait_indirect_dma semaphore(%arg13 : memref<!tpu.dma_semaphore, #tpu.memory_space<semaphore_mem>>) src(%dma_wait3A_263 : memref<10240x128xf32, #tpu.memory_space<hbm>>) dst(%arg10 : memref<128x128xf32, #tpu.memory_space<vmem>>)
      %run_scoped3A = arith.constant 0 : i32
      "tpu.region"() ({
        %run_scoped3A_264 = tpu.sem_alloc : memref<!tpu.dma_semaphore, #tpu.memory_space<semaphore_mem>>
        %dma_start3A_265 = arith.constant 0 : i32
        %dma_start3A_266 = tpu.memref_slice %arg9[%run_scoped3A, %dma_start3A_265] : memref<1x128xi32, #tpu.memory_space<vmem>> -> memref<1x128xi32, #tpu.memory_space<vmem>>
        %dma_start3A_267 = tpu.memref_squeeze %dma_start3A_266 : memref<1x128xi32, #tpu.memory_space<vmem>> -> memref<128xi32, #tpu.memory_space<vmem>>
        %dma_start3A_268 = arith.constant 0 : i32
        %dma_start3A_269 = arith.constant 0 : i32
        %dma_start3A_270 = tpu.memref_slice %arg12[%dma_start3A_268, %dma_start3A_269] : memref<5248x128xf32, #tpu.memory_space<vmem_shared>> -> memref<5248x128xf32, #tpu.memory_space<vmem_shared>>
        tpu.enqueue_indirect_dma source(%arg10 : memref<128x128xf32, #tpu.memory_space<vmem>>) target(%dma_start3A_270 : memref<5248x128xf32, #tpu.memory_space<vmem_shared>>) offsets(%dma_start3A_267 : memref<128xi32, #tpu.memory_space<vmem>>) semaphore(%run_scoped3A_264 : memref<!tpu.dma_semaphore, #tpu.memory_space<semaphore_mem>>) {add = true}
        %dma_wait3A_271 = arith.constant 0 : i32
        %dma_wait3A_272 = tpu.memref_slice %arg9[%run_scoped3A, %dma_wait3A_271] : memref<1x128xi32, #tpu.memory_space<vmem>> -> memref<1x128xi32, #tpu.memory_space<vmem>>
        %dma_wait3A_273 = tpu.memref_squeeze %dma_wait3A_272 : memref<1x128xi32, #tpu.memory_space<vmem>> -> memref<128xi32, #tpu.memory_space<vmem>>
        %dma_wait3A_274 = arith.constant 0 : i32
        %dma_wait3A_275 = arith.constant 0 : i32
        %dma_wait3A_276 = tpu.memref_slice %arg12[%dma_wait3A_274, %dma_wait3A_275] : memref<5248x128xf32, #tpu.memory_space<vmem_shared>> -> memref<5248x128xf32, #tpu.memory_space<vmem_shared>>
        tpu.wait_indirect_dma semaphore(%run_scoped3A_264 : memref<!tpu.dma_semaphore, #tpu.memory_space<semaphore_mem>>) src(%arg10 : memref<128x128xf32, #tpu.memory_space<vmem>>) dst(%dma_wait3A_276 : memref<5248x128xf32, #tpu.memory_space<vmem_shared>>)
        tpu.yield
      }) : () -> ()
    }
    %while3A_16 = arith.constant 1 : i32
    scf.for %while3A_52 = %while3A_14 to %while3A_10 step %while3A_16  : i32 {
      %mul3A_53 = arith.constant 128 : i32
      %mul3A_54 = arith.muli %while3A_52, %mul3A_53 : i32
      %add3A_55 = arith.constant 0 : i32
      %add3A_56 = arith.addi %mul3A_54, %add3A_55 : i32
      %get3A = arith.index_cast %add3A_56 : i32 to index
      %get3A_57 = tpu.vector_load %arg8[%get3A] {strides = array<i32>} : memref<12160xi32, #tpu.memory_space<vmem>>, vector<16xi32>,
      %get3A_58 = vector.shape_cast %get3A_57 : vector<16xi32> to vector<16xi32>
      %sub3A = arith.constant 0 : i32
      %sub3A_59 = vector.broadcast %sub3A : i32 to vector<16xi32>
      %sub3A_60 = arith.subi %get3A_58, %sub3A_59 : vector<16xi32>
      %ge3A = arith.constant 0 : i32
      %ge3A_61 = vector.broadcast %ge3A : i32 to vector<16xi32>
      %ge3A_62 = arith.cmpi sge, %sub3A_60, %ge3A_61 : vector<16xi32>
      %lt3A = arith.constant 5120 : i32
      %lt3A_63 = vector.broadcast %lt3A : i32 to vector<16xi32>
      %lt3A_64 = arith.cmpi slt, %sub3A_60, %lt3A_63 : vector<16xi32>
      %and3A = arith.andi %ge3A_62, %lt3A_64 : vector<16xi1>
      %jit3A_65 = arith.constant 5120 : i32
      %broadcast_in_dim3A = vector.broadcast %jit3A_65 : i32 to vector<16xi32>
      %select_n3A_66 = arith.select %and3A, %sub3A_60, %broadcast_in_dim3A : vector<16xi1>, vector<16xi32>
      %swap3A = arith.constant 0 : i32
      %swap3A_67 = arith.index_cast %swap3A : i32 to index
      %swap3A_68 = arith.constant 0 : index
      %swap3A_69 = tpu.vector_load %arg9[%swap3A_67, %swap3A_68] {strides = array<i32>} : memref<1x128xi32, #tpu.memory_space<vmem>>, vector<1x16xi32>,
      %swap3A_70 = vector.shape_cast %swap3A_69 : vector<1x16xi32> to vector<16xi32>
      %swap3A_71 = vector.shape_cast %select_n3A_66 : vector<16xi32> to vector<1x16xi32>
      tpu.vector_store %arg9[%swap3A_67, %swap3A_68], %swap3A_71 {strides = array<i32>} : memref<1x128xi32, #tpu.memory_space<vmem>>, vector<1x16xi32>,
      %mul3A_72 = arith.constant 128 : i32
      %mul3A_73 = arith.muli %while3A_52, %mul3A_72 : i32
      %add3A_74 = arith.constant 16 : i32
      %add3A_75 = arith.addi %mul3A_73, %add3A_74 : i32
      %get3A_76 = arith.index_cast %add3A_75 : i32 to index
      %get3A_77 = tpu.vector_load %arg8[%get3A_76] {strides = array<i32>} : memref<12160xi32, #tpu.memory_space<vmem>>, vector<16xi32>,
      %get3A_78 = vector.shape_cast %get3A_77 : vector<16xi32> to vector<16xi32>
      %sub3A_79 = arith.constant 0 : i32
      %sub3A_80 = vector.broadcast %sub3A_79 : i32 to vector<16xi32>
      %sub3A_81 = arith.subi %get3A_78, %sub3A_80 : vector<16xi32>
      %ge3A_82 = arith.constant 0 : i32
      %ge3A_83 = vector.broadcast %ge3A_82 : i32 to vector<16xi32>
      %ge3A_84 = arith.cmpi sge, %sub3A_81, %ge3A_83 : vector<16xi32>
      %lt3A_85 = arith.constant 5120 : i32
      %lt3A_86 = vector.broadcast %lt3A_85 : i32 to vector<16xi32>
      %lt3A_87 = arith.cmpi slt, %sub3A_81, %lt3A_86 : vector<16xi32>
      %and3A_88 = arith.andi %ge3A_84, %lt3A_87 : vector<16xi1>
      %jit3A_89 = arith.constant 5120 : i32
      %broadcast_in_dim3A_90 = vector.broadcast %jit3A_89 : i32 to vector<16xi32>
      %select_n3A_91 = arith.select %and3A_88, %sub3A_81, %broadcast_in_dim3A_90 : vector<16xi1>, vector<16xi32>
      %swap3A_92 = arith.constant 0 : i32
      %swap3A_93 = arith.index_cast %swap3A_92 : i32 to index
      %swap3A_94 = arith.constant 16 : index
      %swap3A_95 = tpu.vector_load %arg9[%swap3A_93, %swap3A_94] {strides = array<i32>} : memref<1x128xi32, #tpu.memory_space<vmem>>, vector<1x16xi32>,
      %swap3A_96 = vector.shape_cast %swap3A_95 : vector<1x16xi32> to vector<16xi32>
      %swap3A_97 = vector.shape_cast %select_n3A_91 : vector<16xi32> to vector<1x16xi32>
      tpu.vector_store %arg9[%swap3A_93, %swap3A_94], %swap3A_97 {strides = array<i32>} : memref<1x128xi32, #tpu.memory_space<vmem>>, vector<1x16xi32>,
      %mul3A_98 = arith.constant 128 : i32
      %mul3A_99 = arith.muli %while3A_52, %mul3A_98 : i32
      %add3A_100 = arith.constant 32 : i32
      %add3A_101 = arith.addi %mul3A_99, %add3A_100 : i32
      %get3A_102 = arith.index_cast %add3A_101 : i32 to index
      %get3A_103 = tpu.vector_load %arg8[%get3A_102] {strides = array<i32>} : memref<12160xi32, #tpu.memory_space<vmem>>, vector<16xi32>,
      %get3A_104 = vector.shape_cast %get3A_103 : vector<16xi32> to vector<16xi32>
      %sub3A_105 = arith.constant 0 : i32
      %sub3A_106 = vector.broadcast %sub3A_105 : i32 to vector<16xi32>
      %sub3A_107 = arith.subi %get3A_104, %sub3A_106 : vector<16xi32>
      %ge3A_108 = arith.constant 0 : i32
      %ge3A_109 = vector.broadcast %ge3A_108 : i32 to vector<16xi32>
      %ge3A_110 = arith.cmpi sge, %sub3A_107, %ge3A_109 : vector<16xi32>
      %lt3A_111 = arith.constant 5120 : i32
      %lt3A_112 = vector.broadcast %lt3A_111 : i32 to vector<16xi32>
      %lt3A_113 = arith.cmpi slt, %sub3A_107, %lt3A_112 : vector<16xi32>
      %and3A_114 = arith.andi %ge3A_110, %lt3A_113 : vector<16xi1>
      %jit3A_115 = arith.constant 5120 : i32
      %broadcast_in_dim3A_116 = vector.broadcast %jit3A_115 : i32 to vector<16xi32>
      %select_n3A_117 = arith.select %and3A_114, %sub3A_107, %broadcast_in_dim3A_116 : vector<16xi1>, vector<16xi32>
      %swap3A_118 = arith.constant 0 : i32
      %swap3A_119 = arith.index_cast %swap3A_118 : i32 to index
      %swap3A_120 = arith.constant 32 : index
      %swap3A_121 = tpu.vector_load %arg9[%swap3A_119, %swap3A_120] {strides = array<i32>} : memref<1x128xi32, #tpu.memory_space<vmem>>, vector<1x16xi32>,
      %swap3A_122 = vector.shape_cast %swap3A_121 : vector<1x16xi32> to vector<16xi32>
      %swap3A_123 = vector.shape_cast %select_n3A_117 : vector<16xi32> to vector<1x16xi32>
      tpu.vector_store %arg9[%swap3A_119, %swap3A_120], %swap3A_123 {strides = array<i32>} : memref<1x128xi32, #tpu.memory_space<vmem>>, vector<1x16xi32>,
      %mul3A_124 = arith.constant 128 : i32
      %mul3A_125 = arith.muli %while3A_52, %mul3A_124 : i32
      %add3A_126 = arith.constant 48 : i32
      %add3A_127 = arith.addi %mul3A_125, %add3A_126 : i32
      %get3A_128 = arith.index_cast %add3A_127 : i32 to index
      %get3A_129 = tpu.vector_load %arg8[%get3A_128] {strides = array<i32>} : memref<12160xi32, #tpu.memory_space<vmem>>, vector<16xi32>,
      %get3A_130 = vector.shape_cast %get3A_129 : vector<16xi32> to vector<16xi32>
      %sub3A_131 = arith.constant 0 : i32
      %sub3A_132 = vector.broadcast %sub3A_131 : i32 to vector<16xi32>
      %sub3A_133 = arith.subi %get3A_130, %sub3A_132 : vector<16xi32>
      %ge3A_134 = arith.constant 0 : i32
      %ge3A_135 = vector.broadcast %ge3A_134 : i32 to vector<16xi32>
      %ge3A_136 = arith.cmpi sge, %sub3A_133, %ge3A_135 : vector<16xi32>
      %lt3A_137 = arith.constant 5120 : i32
      %lt3A_138 = vector.broadcast %lt3A_137 : i32 to vector<16xi32>
      %lt3A_139 = arith.cmpi slt, %sub3A_133, %lt3A_138 : vector<16xi32>
      %and3A_140 = arith.andi %ge3A_136, %lt3A_139 : vector<16xi1>
      %jit3A_141 = arith.constant 5120 : i32
      %broadcast_in_dim3A_142 = vector.broadcast %jit3A_141 : i32 to vector<16xi32>
      %select_n3A_143 = arith.select %and3A_140, %sub3A_133, %broadcast_in_dim3A_142 : vector<16xi1>, vector<16xi32>
      %swap3A_144 = arith.constant 0 : i32
      %swap3A_145 = arith.index_cast %swap3A_144 : i32 to index
      %swap3A_146 = arith.constant 48 : index
      %swap3A_147 = tpu.vector_load %arg9[%swap3A_145, %swap3A_146] {strides = array<i32>} : memref<1x128xi32, #tpu.memory_space<vmem>>, vector<1x16xi32>,
      %swap3A_148 = vector.shape_cast %swap3A_147 : vector<1x16xi32> to vector<16xi32>
      %swap3A_149 = vector.shape_cast %select_n3A_143 : vector<16xi32> to vector<1x16xi32>
      tpu.vector_store %arg9[%swap3A_145, %swap3A_146], %swap3A_149 {strides = array<i32>} : memref<1x128xi32, #tpu.memory_space<vmem>>, vector<1x16xi32>,
      %mul3A_150 = arith.constant 128 : i32
      %mul3A_151 = arith.muli %while3A_52, %mul3A_150 : i32
      %add3A_152 = arith.constant 64 : i32
      %add3A_153 = arith.addi %mul3A_151, %add3A_152 : i32
      %get3A_154 = arith.index_cast %add3A_153 : i32 to index
      %get3A_155 = tpu.vector_load %arg8[%get3A_154] {strides = array<i32>} : memref<12160xi32, #tpu.memory_space<vmem>>, vector<16xi32>,
      %get3A_156 = vector.shape_cast %get3A_155 : vector<16xi32> to vector<16xi32>
      %sub3A_157 = arith.constant 0 : i32
      %sub3A_158 = vector.broadcast %sub3A_157 : i32 to vector<16xi32>
      %sub3A_159 = arith.subi %get3A_156, %sub3A_158 : vector<16xi32>
      %ge3A_160 = arith.constant 0 : i32
      %ge3A_161 = vector.broadcast %ge3A_160 : i32 to vector<16xi32>
      %ge3A_162 = arith.cmpi sge, %sub3A_159, %ge3A_161 : vector<16xi32>
      %lt3A_163 = arith.constant 5120 : i32
      %lt3A_164 = vector.broadcast %lt3A_163 : i32 to vector<16xi32>
      %lt3A_165 = arith.cmpi slt, %sub3A_159, %lt3A_164 : vector<16xi32>
      %and3A_166 = arith.andi %ge3A_162, %lt3A_165 : vector<16xi1>
      %jit3A_167 = arith.constant 5120 : i32
      %broadcast_in_dim3A_168 = vector.broadcast %jit3A_167 : i32 to vector<16xi32>
      %select_n3A_169 = arith.select %and3A_166, %sub3A_159, %broadcast_in_dim3A_168 : vector<16xi1>, vector<16xi32>
      %swap3A_170 = arith.constant 0 : i32
      %swap3A_171 = arith.index_cast %swap3A_170 : i32 to index
      %swap3A_172 = arith.constant 64 : index
      %swap3A_173 = tpu.vector_load %arg9[%swap3A_171, %swap3A_172] {strides = array<i32>} : memref<1x128xi32, #tpu.memory_space<vmem>>, vector<1x16xi32>,
      %swap3A_174 = vector.shape_cast %swap3A_173 : vector<1x16xi32> to vector<16xi32>
      %swap3A_175 = vector.shape_cast %select_n3A_169 : vector<16xi32> to vector<1x16xi32>
      tpu.vector_store %arg9[%swap3A_171, %swap3A_172], %swap3A_175 {strides = array<i32>} : memref<1x128xi32, #tpu.memory_space<vmem>>, vector<1x16xi32>,
      %mul3A_176 = arith.constant 128 : i32
      %mul3A_177 = arith.muli %while3A_52, %mul3A_176 : i32
      %add3A_178 = arith.constant 80 : i32
      %add3A_179 = arith.addi %mul3A_177, %add3A_178 : i32
      %get3A_180 = arith.index_cast %add3A_179 : i32 to index
      %get3A_181 = tpu.vector_load %arg8[%get3A_180] {strides = array<i32>} : memref<12160xi32, #tpu.memory_space<vmem>>, vector<16xi32>,
      %get3A_182 = vector.shape_cast %get3A_181 : vector<16xi32> to vector<16xi32>
      %sub3A_183 = arith.constant 0 : i32
      %sub3A_184 = vector.broadcast %sub3A_183 : i32 to vector<16xi32>
      %sub3A_185 = arith.subi %get3A_182, %sub3A_184 : vector<16xi32>
      %ge3A_186 = arith.constant 0 : i32
      %ge3A_187 = vector.broadcast %ge3A_186 : i32 to vector<16xi32>
      %ge3A_188 = arith.cmpi sge, %sub3A_185, %ge3A_187 : vector<16xi32>
      %lt3A_189 = arith.constant 5120 : i32
      %lt3A_190 = vector.broadcast %lt3A_189 : i32 to vector<16xi32>
      %lt3A_191 = arith.cmpi slt, %sub3A_185, %lt3A_190 : vector<16xi32>
      %and3A_192 = arith.andi %ge3A_188, %lt3A_191 : vector<16xi1>
      %jit3A_193 = arith.constant 5120 : i32
      %broadcast_in_dim3A_194 = vector.broadcast %jit3A_193 : i32 to vector<16xi32>
      %select_n3A_195 = arith.select %and3A_192, %sub3A_185, %broadcast_in_dim3A_194 : vector<16xi1>, vector<16xi32>
      %swap3A_196 = arith.constant 0 : i32
      %swap3A_197 = arith.index_cast %swap3A_196 : i32 to index
      %swap3A_198 = arith.constant 80 : index
      %swap3A_199 = tpu.vector_load %arg9[%swap3A_197, %swap3A_198] {strides = array<i32>} : memref<1x128xi32, #tpu.memory_space<vmem>>, vector<1x16xi32>,
      %swap3A_200 = vector.shape_cast %swap3A_199 : vector<1x16xi32> to vector<16xi32>
      %swap3A_201 = vector.shape_cast %select_n3A_195 : vector<16xi32> to vector<1x16xi32>
      tpu.vector_store %arg9[%swap3A_197, %swap3A_198], %swap3A_201 {strides = array<i32>} : memref<1x128xi32, #tpu.memory_space<vmem>>, vector<1x16xi32>,
      %mul3A_202 = arith.constant 128 : i32
      %mul3A_203 = arith.muli %while3A_52, %mul3A_202 : i32
      %add3A_204 = arith.constant 96 : i32
      %add3A_205 = arith.addi %mul3A_203, %add3A_204 : i32
      %get3A_206 = arith.index_cast %add3A_205 : i32 to index
      %get3A_207 = tpu.vector_load %arg8[%get3A_206] {strides = array<i32>} : memref<12160xi32, #tpu.memory_space<vmem>>, vector<16xi32>,
      %get3A_208 = vector.shape_cast %get3A_207 : vector<16xi32> to vector<16xi32>
      %sub3A_209 = arith.constant 0 : i32
      %sub3A_210 = vector.broadcast %sub3A_209 : i32 to vector<16xi32>
      %sub3A_211 = arith.subi %get3A_208, %sub3A_210 : vector<16xi32>
      %ge3A_212 = arith.constant 0 : i32
      %ge3A_213 = vector.broadcast %ge3A_212 : i32 to vector<16xi32>
      %ge3A_214 = arith.cmpi sge, %sub3A_211, %ge3A_213 : vector<16xi32>
      %lt3A_215 = arith.constant 5120 : i32
      %lt3A_216 = vector.broadcast %lt3A_215 : i32 to vector<16xi32>
      %lt3A_217 = arith.cmpi slt, %sub3A_211, %lt3A_216 : vector<16xi32>
      %and3A_218 = arith.andi %ge3A_214, %lt3A_217 : vector<16xi1>
      %jit3A_219 = arith.constant 5120 : i32
      %broadcast_in_dim3A_220 = vector.broadcast %jit3A_219 : i32 to vector<16xi32>
      %select_n3A_221 = arith.select %and3A_218, %sub3A_211, %broadcast_in_dim3A_220 : vector<16xi1>, vector<16xi32>
      %swap3A_222 = arith.constant 0 : i32
      %swap3A_223 = arith.index_cast %swap3A_222 : i32 to index
      %swap3A_224 = arith.constant 96 : index
      %swap3A_225 = tpu.vector_load %arg9[%swap3A_223, %swap3A_224] {strides = array<i32>} : memref<1x128xi32, #tpu.memory_space<vmem>>, vector<1x16xi32>,
      %swap3A_226 = vector.shape_cast %swap3A_225 : vector<1x16xi32> to vector<16xi32>
      %swap3A_227 = vector.shape_cast %select_n3A_221 : vector<16xi32> to vector<1x16xi32>
      tpu.vector_store %arg9[%swap3A_223, %swap3A_224], %swap3A_227 {strides = array<i32>} : memref<1x128xi32, #tpu.memory_space<vmem>>, vector<1x16xi32>,
      %mul3A_228 = arith.constant 128 : i32
      %mul3A_229 = arith.muli %while3A_52, %mul3A_228 : i32
      %add3A_230 = arith.constant 112 : i32
      %add3A_231 = arith.addi %mul3A_229, %add3A_230 : i32
      %get3A_232 = arith.index_cast %add3A_231 : i32 to index
      %get3A_233 = tpu.vector_load %arg8[%get3A_232] {strides = array<i32>} : memref<12160xi32, #tpu.memory_space<vmem>>, vector<16xi32>,
      %get3A_234 = vector.shape_cast %get3A_233 : vector<16xi32> to vector<16xi32>
      %sub3A_235 = arith.constant 0 : i32
      %sub3A_236 = vector.broadcast %sub3A_235 : i32 to vector<16xi32>
      %sub3A_237 = arith.subi %get3A_234, %sub3A_236 : vector<16xi32>
      %ge3A_238 = arith.constant 0 : i32
      %ge3A_239 = vector.broadcast %ge3A_238 : i32 to vector<16xi32>
      %ge3A_240 = arith.cmpi sge, %sub3A_237, %ge3A_239 : vector<16xi32>
      %lt3A_241 = arith.constant 5120 : i32
      %lt3A_242 = vector.broadcast %lt3A_241 : i32 to vector<16xi32>
      %lt3A_243 = arith.cmpi slt, %sub3A_237, %lt3A_242 : vector<16xi32>
      %and3A_244 = arith.andi %ge3A_240, %lt3A_243 : vector<16xi1>
      %jit3A_245 = arith.constant 5120 : i32
      %broadcast_in_dim3A_246 = vector.broadcast %jit3A_245 : i32 to vector<16xi32>
      %select_n3A_247 = arith.select %and3A_244, %sub3A_237, %broadcast_in_dim3A_246 : vector<16xi1>, vector<16xi32>
      %swap3A_248 = arith.constant 0 : i32
      %swap3A_249 = arith.index_cast %swap3A_248 : i32 to index
      %swap3A_250 = arith.constant 112 : index
      %swap3A_251 = tpu.vector_load %arg9[%swap3A_249, %swap3A_250] {strides = array<i32>} : memref<1x128xi32, #tpu.memory_space<vmem>>, vector<1x16xi32>,
      %swap3A_252 = vector.shape_cast %swap3A_251 : vector<1x16xi32> to vector<16xi32>
      %swap3A_253 = vector.shape_cast %select_n3A_247 : vector<16xi32> to vector<1x16xi32>
      tpu.vector_store %arg9[%swap3A_249, %swap3A_250], %swap3A_253 {strides = array<i32>} : memref<1x128xi32, #tpu.memory_space<vmem>>, vector<1x16xi32>,
      %dma_start3A = arith.constant 0 : i32
      %dma_start3A_254 = tpu.memref_slice %arg7[%while3A_52, %dma_start3A] : memref<95x128xi32, #tpu.memory_space<vmem>> -> memref<1x128xi32, #tpu.memory_space<vmem>>
      %dma_start3A_255 = tpu.memref_squeeze %dma_start3A_254 : memref<1x128xi32, #tpu.memory_space<vmem>> -> memref<128xi32, #tpu.memory_space<vmem>>
      %dma_start3A_256 = arith.constant 0 : i32
      %dma_start3A_257 = arith.constant 0 : i32
      %dma_start3A_258 = tpu.memref_slice %arg2[%dma_start3A_256, %dma_start3A_257] : memref<10240x128xf32, #tpu.memory_space<hbm>> -> memref<10240x128xf32, #tpu.memory_space<hbm>>
      tpu.enqueue_indirect_dma source(%dma_start3A_258 : memref<10240x128xf32, #tpu.memory_space<hbm>>) target(%arg10 : memref<128x128xf32, #tpu.memory_space<vmem>>) offsets(%dma_start3A_255 : memref<128xi32, #tpu.memory_space<vmem>>) semaphore(%arg13 : memref<!tpu.dma_semaphore, #tpu.memory_space<semaphore_mem>>)
      %dma_wait3A = arith.constant 0 : i32
      %dma_wait3A_259 = tpu.memref_slice %arg7[%while3A_52, %dma_wait3A] : memref<95x128xi32, #tpu.memory_space<vmem>> -> memref<1x128xi32, #tpu.memory_space<vmem>>
      %dma_wait3A_260 = tpu.memref_squeeze %dma_wait3A_259 : memref<1x128xi32, #tpu.memory_space<vmem>> -> memref<128xi32, #tpu.memory_space<vmem>>
      %dma_wait3A_261 = arith.constant 0 : i32
      %dma_wait3A_262 = arith.constant 0 : i32
      %dma_wait3A_263 = tpu.memref_slice %arg2[%dma_wait3A_261, %dma_wait3A_262] : memref<10240x128xf32, #tpu.memory_space<hbm>> -> memref<10240x128xf32, #tpu.memory_space<hbm>>
      tpu.wait_indirect_dma semaphore(%arg13 : memref<!tpu.dma_semaphore, #tpu.memory_space<semaphore_mem>>) src(%dma_wait3A_263 : memref<10240x128xf32, #tpu.memory_space<hbm>>) dst(%arg10 : memref<128x128xf32, #tpu.memory_space<vmem>>)
      %run_scoped3A = arith.constant 0 : i32
      "tpu.region"() ({
        %run_scoped3A_264 = tpu.sem_alloc : memref<!tpu.dma_semaphore, #tpu.memory_space<semaphore_mem>>
        %dma_start3A_265 = arith.constant 0 : i32
        %dma_start3A_266 = tpu.memref_slice %arg9[%run_scoped3A, %dma_start3A_265] : memref<1x128xi32, #tpu.memory_space<vmem>> -> memref<1x128xi32, #tpu.memory_space<vmem>>
        %dma_start3A_267 = tpu.memref_squeeze %dma_start3A_266 : memref<1x128xi32, #tpu.memory_space<vmem>> -> memref<128xi32, #tpu.memory_space<vmem>>
        %dma_start3A_268 = arith.constant 0 : i32
        %dma_start3A_269 = arith.constant 0 : i32
        %dma_start3A_270 = tpu.memref_slice %arg12[%dma_start3A_268, %dma_start3A_269] : memref<5248x128xf32, #tpu.memory_space<vmem_shared>> -> memref<5248x128xf32, #tpu.memory_space<vmem_shared>>
        tpu.enqueue_indirect_dma source(%arg10 : memref<128x128xf32, #tpu.memory_space<vmem>>) target(%dma_start3A_270 : memref<5248x128xf32, #tpu.memory_space<vmem_shared>>) offsets(%dma_start3A_267 : memref<128xi32, #tpu.memory_space<vmem>>) semaphore(%run_scoped3A_264 : memref<!tpu.dma_semaphore, #tpu.memory_space<semaphore_mem>>) {add = true}
        %dma_wait3A_271 = arith.constant 0 : i32
        %dma_wait3A_272 = tpu.memref_slice %arg9[%run_scoped3A, %dma_wait3A_271] : memref<1x128xi32, #tpu.memory_space<vmem>> -> memref<1x128xi32, #tpu.memory_space<vmem>>
        %dma_wait3A_273 = tpu.memref_squeeze %dma_wait3A_272 : memref<1x128xi32, #tpu.memory_space<vmem>> -> memref<128xi32, #tpu.memory_space<vmem>>
        %dma_wait3A_274 = arith.constant 0 : i32
        %dma_wait3A_275 = arith.constant 0 : i32
        %dma_wait3A_276 = tpu.memref_slice %arg12[%dma_wait3A_274, %dma_wait3A_275] : memref<5248x128xf32, #tpu.memory_space<vmem_shared>> -> memref<5248x128xf32, #tpu.memory_space<vmem_shared>>
        tpu.wait_indirect_dma semaphore(%run_scoped3A_264 : memref<!tpu.dma_semaphore, #tpu.memory_space<semaphore_mem>>) src(%arg10 : memref<128x128xf32, #tpu.memory_space<vmem>>) dst(%dma_wait3A_276 : memref<5248x128xf32, #tpu.memory_space<vmem_shared>>)
        tpu.yield
      }) : () -> ()
    }
    %barrier3A_17 = arith.constant 0 : index
    tpu.barrier barrier_id(%barrier3A_17)
    %mul3A_18 = arith.constant 320 : i32
    %mul3A_19 = arith.muli %arg1, %mul3A_18 : i32
    %mul3A_20 = arith.constant 320 : i32
    %mul3A_21 = arith.muli %arg1, %mul3A_20 : i32
    %add3A_22 = arith.constant 0 : i32
    %add3A_23 = arith.addi %add3A_22, %mul3A_21 : i32
    "tpu.region"() ({
      %run_scoped3A = tpu.sem_alloc : memref<!tpu.dma_semaphore, #tpu.memory_space<semaphore_mem>>
      %dma_start3A = arith.constant 0 : i32
      %dma_start3A_52 = tpu.memref_slice %arg6[%arg0, %add3A_23, %dma_start3A] : memref<2x10240x128xf32, #tpu.memory_space<hbm>> -> memref<1x320x128xf32, #tpu.memory_space<hbm>>
      %dma_start3A_53 = tpu.memref_squeeze %dma_start3A_52 : memref<1x320x128xf32, #tpu.memory_space<hbm>> -> memref<320x128xf32, #tpu.memory_space<hbm>>
      %dma_start3A_54 = arith.constant 0 : i32
      %dma_start3A_55 = tpu.memref_slice %arg12[%mul3A_19, %dma_start3A_54] : memref<5248x128xf32, #tpu.memory_space<vmem_shared>> -> memref<320x128xf32, #tpu.memory_space<vmem_shared>>
      tpu.enqueue_dma source(%dma_start3A_55 : memref<320x128xf32, #tpu.memory_space<vmem_shared>>) target(%dma_start3A_53 : memref<320x128xf32, #tpu.memory_space<hbm>>) target_semaphore(%run_scoped3A : memref<!tpu.dma_semaphore, #tpu.memory_space<semaphore_mem>>)
      %dma_wait3A = arith.constant 0 : i32
      %dma_wait3A_56 = tpu.memref_slice %arg6[%arg0, %add3A_23, %dma_wait3A] : memref<2x10240x128xf32, #tpu.memory_space<hbm>> -> memref<1x320x128xf32, #tpu.memory_space<hbm>>
      %dma_wait3A_57 = tpu.memref_squeeze %dma_wait3A_56 : memref<1x320x128xf32, #tpu.memory_space<hbm>> -> memref<320x128xf32, #tpu.memory_space<hbm>>
      %dma_wait3A_58 = arith.constant 0 : i32
      %dma_wait3A_59 = tpu.memref_slice %arg12[%mul3A_19, %dma_wait3A_58] : memref<5248x128xf32, #tpu.memory_space<vmem_shared>> -> memref<320x128xf32, #tpu.memory_space<vmem_shared>>
      tpu.wait_dma2 semaphore(%run_scoped3A : memref<!tpu.dma_semaphore, #tpu.memory_space<semaphore_mem>>) src(%dma_wait3A_59 : memref<320x128xf32, #tpu.memory_space<vmem_shared>>) dst(%dma_wait3A_57 : memref<320x128xf32, #tpu.memory_space<hbm>>)
      tpu.yield
    }) : () -> ()
    %barrier3A_24 = arith.constant 0 : index
    tpu.barrier barrier_id(%barrier3A_24)
    %mul3A_25 = arith.constant 328 : i32
    %mul3A_26 = arith.muli %arg1, %mul3A_25 : i32
    %add3A_27 = arith.constant 0 : i32
    %add3A_28 = arith.addi %mul3A_26, %add3A_27 : i32
    "tpu.region"() ({
      %run_scoped3A = tpu.sem_alloc : memref<!tpu.dma_semaphore, #tpu.memory_space<semaphore_mem>>
      %dma_start3A = arith.constant 0 : i32
      %dma_start3A_52 = arith.constant 0 : i32
      %dma_start3A_53 = tpu.memref_slice %arg11[%dma_start3A, %dma_start3A_52] : memref<128x128xf32, #tpu.memory_space<vmem>> -> memref<128x128xf32, #tpu.memory_space<vmem>>
      %dma_start3A_54 = arith.constant 0 : i32
      %dma_start3A_55 = tpu.memref_slice %arg12[%add3A_28, %dma_start3A_54] : memref<5248x128xf32, #tpu.memory_space<vmem_shared>> -> memref<128x128xf32, #tpu.memory_space<vmem_shared>>
      %dma_start3A_56 = arith.constant 0 : i32
      %dma_start3A_57 = tpu.memref_slice %arg12[%add3A_28, %dma_start3A_56] : memref<5248x128xf32, #tpu.memory_space<vmem_shared>> -> memref<128x128xf32, #tpu.memory_space<vmem_shared>>
      %dma_start3A_58 = arith.constant 0 : i32
      %dma_start3A_59 = arith.constant 0 : i32
      %dma_start3A_60 = tpu.memref_slice %arg11[%dma_start3A_58, %dma_start3A_59] : memref<128x128xf32, #tpu.memory_space<vmem>> -> memref<128x128xf32, #tpu.memory_space<vmem>>
      tpu.enqueue_dma source(%dma_start3A_60 : memref<128x128xf32, #tpu.memory_space<vmem>>) target(%dma_start3A_57 : memref<128x128xf32, #tpu.memory_space<vmem_shared>>) target_semaphore(%run_scoped3A : memref<!tpu.dma_semaphore, #tpu.memory_space<semaphore_mem>>)
      %dma_wait3A = arith.constant 0 : i32
      %dma_wait3A_61 = arith.constant 0 : i32
      %dma_wait3A_62 = tpu.memref_slice %arg11[%dma_wait3A, %dma_wait3A_61] : memref<128x128xf32, #tpu.memory_space<vmem>> -> memref<128x128xf32, #tpu.memory_space<vmem>>
      %dma_wait3A_63 = arith.constant 0 : i32
      %dma_wait3A_64 = tpu.memref_slice %arg12[%add3A_28, %dma_wait3A_63] : memref<5248x128xf32, #tpu.memory_space<vmem_shared>> -> memref<128x128xf32, #tpu.memory_space<vmem_shared>>
      %dma_wait3A_65 = arith.constant 0 : i32
      %dma_wait3A_66 = tpu.memref_slice %arg12[%add3A_28, %dma_wait3A_65] : memref<5248x128xf32, #tpu.memory_space<vmem_shared>> -> memref<128x128xf32, #tpu.memory_space<vmem_shared>>
      %dma_wait3A_67 = arith.constant 0 : i32
      %dma_wait3A_68 = arith.constant 0 : i32
      %dma_wait3A_69 = tpu.memref_slice %arg11[%dma_wait3A_67, %dma_wait3A_68] : memref<128x128xf32, #tpu.memory_space<vmem>> -> memref<128x128xf32, #tpu.memory_space<vmem>>
      tpu.wait_dma2 semaphore(%run_scoped3A : memref<!tpu.dma_semaphore, #tpu.memory_space<semaphore_mem>>) src(%dma_wait3A_69 : memref<128x128xf32, #tpu.memory_space<vmem>>) dst(%dma_wait3A_66 : memref<128x128xf32, #tpu.memory_space<vmem_shared>>)
      tpu.yield
    }) : () -> ()
    %add3A_29 = arith.constant 128 : i32
    %add3A_30 = arith.addi %mul3A_26, %add3A_29 : i32
    "tpu.region"() ({
      %run_scoped3A = tpu.sem_alloc : memref<!tpu.dma_semaphore, #tpu.memory_space<semaphore_mem>>
      %dma_start3A = arith.constant 0 : i32
      %dma_start3A_52 = arith.constant 0 : i32
      %dma_start3A_53 = tpu.memref_slice %arg11[%dma_start3A, %dma_start3A_52] : memref<128x128xf32, #tpu.memory_space<vmem>> -> memref<128x128xf32, #tpu.memory_space<vmem>>
      %dma_start3A_54 = arith.constant 0 : i32
      %dma_start3A_55 = tpu.memref_slice %arg12[%add3A_30, %dma_start3A_54] : memref<5248x128xf32, #tpu.memory_space<vmem_shared>> -> memref<128x128xf32, #tpu.memory_space<vmem_shared>>
      %dma_start3A_56 = arith.constant 0 : i32
      %dma_start3A_57 = tpu.memref_slice %arg12[%add3A_30, %dma_start3A_56] : memref<5248x128xf32, #tpu.memory_space<vmem_shared>> -> memref<128x128xf32, #tpu.memory_space<vmem_shared>>
      %dma_start3A_58 = arith.constant 0 : i32
      %dma_start3A_59 = arith.constant 0 : i32
      %dma_start3A_60 = tpu.memref_slice %arg11[%dma_start3A_58, %dma_start3A_59] : memref<128x128xf32, #tpu.memory_space<vmem>> -> memref<128x128xf32, #tpu.memory_space<vmem>>
      tpu.enqueue_dma source(%dma_start3A_60 : memref<128x128xf32, #tpu.memory_space<vmem>>) target(%dma_start3A_57 : memref<128x128xf32, #tpu.memory_space<vmem_shared>>) target_semaphore(%run_scoped3A : memref<!tpu.dma_semaphore, #tpu.memory_space<semaphore_mem>>)
      %dma_wait3A = arith.constant 0 : i32
      %dma_wait3A_61 = arith.constant 0 : i32
      %dma_wait3A_62 = tpu.memref_slice %arg11[%dma_wait3A, %dma_wait3A_61] : memref<128x128xf32, #tpu.memory_space<vmem>> -> memref<128x128xf32, #tpu.memory_space<vmem>>
      %dma_wait3A_63 = arith.constant 0 : i32
      %dma_wait3A_64 = tpu.memref_slice %arg12[%add3A_30, %dma_wait3A_63] : memref<5248x128xf32, #tpu.memory_space<vmem_shared>> -> memref<128x128xf32, #tpu.memory_space<vmem_shared>>
      %dma_wait3A_65 = arith.constant 0 : i32
      %dma_wait3A_66 = tpu.memref_slice %arg12[%add3A_30, %dma_wait3A_65] : memref<5248x128xf32, #tpu.memory_space<vmem_shared>> -> memref<128x128xf32, #tpu.memory_space<vmem_shared>>
      %dma_wait3A_67 = arith.constant 0 : i32
      %dma_wait3A_68 = arith.constant 0 : i32
      %dma_wait3A_69 = tpu.memref_slice %arg11[%dma_wait3A_67, %dma_wait3A_68] : memref<128x128xf32, #tpu.memory_space<vmem>> -> memref<128x128xf32, #tpu.memory_space<vmem>>
      tpu.wait_dma2 semaphore(%run_scoped3A : memref<!tpu.dma_semaphore, #tpu.memory_space<semaphore_mem>>) src(%dma_wait3A_69 : memref<128x128xf32, #tpu.memory_space<vmem>>) dst(%dma_wait3A_66 : memref<128x128xf32, #tpu.memory_space<vmem_shared>>)
      tpu.yield
    }) : () -> ()
    %add3A_31 = arith.constant 256 : i32
    %add3A_32 = arith.addi %mul3A_26, %add3A_31 : i32
    "tpu.region"() ({
      %run_scoped3A = tpu.sem_alloc : memref<!tpu.dma_semaphore, #tpu.memory_space<semaphore_mem>>
      %dma_start3A = arith.constant 0 : i32
      %dma_start3A_52 = arith.constant 0 : i32
      %dma_start3A_53 = tpu.memref_slice %arg11[%dma_start3A, %dma_start3A_52] : memref<128x128xf32, #tpu.memory_space<vmem>> -> memref<72x128xf32, #tpu.memory_space<vmem>>
      %dma_start3A_54 = arith.constant 0 : i32
      %dma_start3A_55 = tpu.memref_slice %arg12[%add3A_32, %dma_start3A_54] : memref<5248x128xf32, #tpu.memory_space<vmem_shared>> -> memref<72x128xf32, #tpu.memory_space<vmem_shared>>
      %dma_start3A_56 = arith.constant 0 : i32
      %dma_start3A_57 = tpu.memref_slice %arg12[%add3A_32, %dma_start3A_56] : memref<5248x128xf32, #tpu.memory_space<vmem_shared>> -> memref<72x128xf32, #tpu.memory_space<vmem_shared>>
      %dma_start3A_58 = arith.constant 0 : i32
      %dma_start3A_59 = arith.constant 0 : i32
      %dma_start3A_60 = tpu.memref_slice %arg11[%dma_start3A_58, %dma_start3A_59] : memref<128x128xf32, #tpu.memory_space<vmem>> -> memref<72x128xf32, #tpu.memory_space<vmem>>
      tpu.enqueue_dma source(%dma_start3A_60 : memref<72x128xf32, #tpu.memory_space<vmem>>) target(%dma_start3A_57 : memref<72x128xf32, #tpu.memory_space<vmem_shared>>) target_semaphore(%run_scoped3A : memref<!tpu.dma_semaphore, #tpu.memory_space<semaphore_mem>>)
      %dma_wait3A = arith.constant 0 : i32
      %dma_wait3A_61 = arith.constant 0 : i32
      %dma_wait3A_62 = tpu.memref_slice %arg11[%dma_wait3A, %dma_wait3A_61] : memref<128x128xf32, #tpu.memory_space<vmem>> -> memref<72x128xf32, #tpu.memory_space<vmem>>
      %dma_wait3A_63 = arith.constant 0 : i32
      %dma_wait3A_64 = tpu.memref_slice %arg12[%add3A_32, %dma_wait3A_63] : memref<5248x128xf32, #tpu.memory_space<vmem_shared>> -> memref<72x128xf32, #tpu.memory_space<vmem_shared>>
      %dma_wait3A_65 = arith.constant 0 : i32
      %dma_wait3A_66 = tpu.memref_slice %arg12[%add3A_32, %dma_wait3A_65] : memref<5248x128xf32, #tpu.memory_space<vmem_shared>> -> memref<72x128xf32, #tpu.memory_space<vmem_shared>>
      %dma_wait3A_67 = arith.constant 0 : i32
      %dma_wait3A_68 = arith.constant 0 : i32
      %dma_wait3A_69 = tpu.memref_slice %arg11[%dma_wait3A_67, %dma_wait3A_68] : memref<128x128xf32, #tpu.memory_space<vmem>> -> memref<72x128xf32, #tpu.memory_space<vmem>>
      tpu.wait_dma2 semaphore(%run_scoped3A : memref<!tpu.dma_semaphore, #tpu.memory_space<semaphore_mem>>) src(%dma_wait3A_69 : memref<72x128xf32, #tpu.memory_space<vmem>>) dst(%dma_wait3A_66 : memref<72x128xf32, #tpu.memory_space<vmem_shared>>)
      tpu.yield
    }) : () -> ()
    %barrier3A_33 = arith.constant 0 : index
    tpu.barrier barrier_id(%barrier3A_33)
    %while3A_34 = arith.constant 0 : i32
    %while3A_35 = arith.constant 0 : i32
    %while3A_36 = arith.subi %select_n3A, %while3A_35 : i32
    %while3A_37 = arith.addi %while3A_35, %while3A_36 : i32
    %while3A_38 = arith.constant 1 : i32
    %while3A_39 = arith.divsi %while3A_36, %while3A_38 : i32
    %while3A_40 = arith.muli %while3A_39, %while3A_38 : i32
    %while3A_41 = arith.addi %while3A_35, %while3A_40 : i32
    %while3A_42 = arith.constant 1 : i32
    scf.for %while3A_52 = %while3A_35 to %while3A_41 step %while3A_42  : i32 {
      %mul3A_53 = arith.constant 128 : i32
      %mul3A_54 = arith.muli %while3A_52, %mul3A_53 : i32
      %add3A_55 = arith.constant 0 : i32
      %add3A_56 = arith.addi %mul3A_54, %add3A_55 : i32
      %get3A = arith.index_cast %add3A_56 : i32 to index
      %get3A_57 = tpu.vector_load %arg8[%get3A] {strides = array<i32>} : memref<12160xi32, #tpu.memory_space<vmem>>, vector<16xi32>,
      %get3A_58 = vector.shape_cast %get3A_57 : vector<16xi32> to vector<16xi32>
      %sub3A = arith.constant 5120 : i32
      %sub3A_59 = vector.broadcast %sub3A : i32 to vector<16xi32>
      %sub3A_60 = arith.subi %get3A_58, %sub3A_59 : vector<16xi32>
      %ge3A = arith.constant 0 : i32
      %ge3A_61 = vector.broadcast %ge3A : i32 to vector<16xi32>
      %ge3A_62 = arith.cmpi sge, %sub3A_60, %ge3A_61 : vector<16xi32>
      %lt3A = arith.constant 5120 : i32
      %lt3A_63 = vector.broadcast %lt3A : i32 to vector<16xi32>
      %lt3A_64 = arith.cmpi slt, %sub3A_60, %lt3A_63 : vector<16xi32>
      %and3A = arith.andi %ge3A_62, %lt3A_64 : vector<16xi1>
      %jit3A_65 = arith.constant 5120 : i32
      %broadcast_in_dim3A = vector.broadcast %jit3A_65 : i32 to vector<16xi32>
      %select_n3A_66 = arith.select %and3A, %sub3A_60, %broadcast_in_dim3A : vector<16xi1>, vector<16xi32>
      %swap3A = arith.constant 0 : i32
      %swap3A_67 = arith.index_cast %swap3A : i32 to index
      %swap3A_68 = arith.constant 0 : index
      %swap3A_69 = tpu.vector_load %arg9[%swap3A_67, %swap3A_68] {strides = array<i32>} : memref<1x128xi32, #tpu.memory_space<vmem>>, vector<1x16xi32>,
      %swap3A_70 = vector.shape_cast %swap3A_69 : vector<1x16xi32> to vector<16xi32>
      %swap3A_71 = vector.shape_cast %select_n3A_66 : vector<16xi32> to vector<1x16xi32>
      tpu.vector_store %arg9[%swap3A_67, %swap3A_68], %swap3A_71 {strides = array<i32>} : memref<1x128xi32, #tpu.memory_space<vmem>>, vector<1x16xi32>,
      %mul3A_72 = arith.constant 128 : i32
      %mul3A_73 = arith.muli %while3A_52, %mul3A_72 : i32
      %add3A_74 = arith.constant 16 : i32
      %add3A_75 = arith.addi %mul3A_73, %add3A_74 : i32
      %get3A_76 = arith.index_cast %add3A_75 : i32 to index
      %get3A_77 = tpu.vector_load %arg8[%get3A_76] {strides = array<i32>} : memref<12160xi32, #tpu.memory_space<vmem>>, vector<16xi32>,
      %get3A_78 = vector.shape_cast %get3A_77 : vector<16xi32> to vector<16xi32>
      %sub3A_79 = arith.constant 5120 : i32
      %sub3A_80 = vector.broadcast %sub3A_79 : i32 to vector<16xi32>
      %sub3A_81 = arith.subi %get3A_78, %sub3A_80 : vector<16xi32>
      %ge3A_82 = arith.constant 0 : i32
      %ge3A_83 = vector.broadcast %ge3A_82 : i32 to vector<16xi32>
      %ge3A_84 = arith.cmpi sge, %sub3A_81, %ge3A_83 : vector<16xi32>
      %lt3A_85 = arith.constant 5120 : i32
      %lt3A_86 = vector.broadcast %lt3A_85 : i32 to vector<16xi32>
      %lt3A_87 = arith.cmpi slt, %sub3A_81, %lt3A_86 : vector<16xi32>
      %and3A_88 = arith.andi %ge3A_84, %lt3A_87 : vector<16xi1>
      %jit3A_89 = arith.constant 5120 : i32
      %broadcast_in_dim3A_90 = vector.broadcast %jit3A_89 : i32 to vector<16xi32>
      %select_n3A_91 = arith.select %and3A_88, %sub3A_81, %broadcast_in_dim3A_90 : vector<16xi1>, vector<16xi32>
      %swap3A_92 = arith.constant 0 : i32
      %swap3A_93 = arith.index_cast %swap3A_92 : i32 to index
      %swap3A_94 = arith.constant 16 : index
      %swap3A_95 = tpu.vector_load %arg9[%swap3A_93, %swap3A_94] {strides = array<i32>} : memref<1x128xi32, #tpu.memory_space<vmem>>, vector<1x16xi32>,
      %swap3A_96 = vector.shape_cast %swap3A_95 : vector<1x16xi32> to vector<16xi32>
      %swap3A_97 = vector.shape_cast %select_n3A_91 : vector<16xi32> to vector<1x16xi32>
      tpu.vector_store %arg9[%swap3A_93, %swap3A_94], %swap3A_97 {strides = array<i32>} : memref<1x128xi32, #tpu.memory_space<vmem>>, vector<1x16xi32>,
      %mul3A_98 = arith.constant 128 : i32
      %mul3A_99 = arith.muli %while3A_52, %mul3A_98 : i32
      %add3A_100 = arith.constant 32 : i32
      %add3A_101 = arith.addi %mul3A_99, %add3A_100 : i32
      %get3A_102 = arith.index_cast %add3A_101 : i32 to index
      %get3A_103 = tpu.vector_load %arg8[%get3A_102] {strides = array<i32>} : memref<12160xi32, #tpu.memory_space<vmem>>, vector<16xi32>,
      %get3A_104 = vector.shape_cast %get3A_103 : vector<16xi32> to vector<16xi32>
      %sub3A_105 = arith.constant 5120 : i32
      %sub3A_106 = vector.broadcast %sub3A_105 : i32 to vector<16xi32>
      %sub3A_107 = arith.subi %get3A_104, %sub3A_106 : vector<16xi32>
      %ge3A_108 = arith.constant 0 : i32
      %ge3A_109 = vector.broadcast %ge3A_108 : i32 to vector<16xi32>
      %ge3A_110 = arith.cmpi sge, %sub3A_107, %ge3A_109 : vector<16xi32>
      %lt3A_111 = arith.constant 5120 : i32
      %lt3A_112 = vector.broadcast %lt3A_111 : i32 to vector<16xi32>
      %lt3A_113 = arith.cmpi slt, %sub3A_107, %lt3A_112 : vector<16xi32>
      %and3A_114 = arith.andi %ge3A_110, %lt3A_113 : vector<16xi1>
      %jit3A_115 = arith.constant 5120 : i32
      %broadcast_in_dim3A_116 = vector.broadcast %jit3A_115 : i32 to vector<16xi32>
      %select_n3A_117 = arith.select %and3A_114, %sub3A_107, %broadcast_in_dim3A_116 : vector<16xi1>, vector<16xi32>
      %swap3A_118 = arith.constant 0 : i32
      %swap3A_119 = arith.index_cast %swap3A_118 : i32 to index
      %swap3A_120 = arith.constant 32 : index
      %swap3A_121 = tpu.vector_load %arg9[%swap3A_119, %swap3A_120] {strides = array<i32>} : memref<1x128xi32, #tpu.memory_space<vmem>>, vector<1x16xi32>,
      %swap3A_122 = vector.shape_cast %swap3A_121 : vector<1x16xi32> to vector<16xi32>
      %swap3A_123 = vector.shape_cast %select_n3A_117 : vector<16xi32> to vector<1x16xi32>
      tpu.vector_store %arg9[%swap3A_119, %swap3A_120], %swap3A_123 {strides = array<i32>} : memref<1x128xi32, #tpu.memory_space<vmem>>, vector<1x16xi32>,
      %mul3A_124 = arith.constant 128 : i32
      %mul3A_125 = arith.muli %while3A_52, %mul3A_124 : i32
      %add3A_126 = arith.constant 48 : i32
      %add3A_127 = arith.addi %mul3A_125, %add3A_126 : i32
      %get3A_128 = arith.index_cast %add3A_127 : i32 to index
      %get3A_129 = tpu.vector_load %arg8[%get3A_128] {strides = array<i32>} : memref<12160xi32, #tpu.memory_space<vmem>>, vector<16xi32>,
      %get3A_130 = vector.shape_cast %get3A_129 : vector<16xi32> to vector<16xi32>
      %sub3A_131 = arith.constant 5120 : i32
      %sub3A_132 = vector.broadcast %sub3A_131 : i32 to vector<16xi32>
      %sub3A_133 = arith.subi %get3A_130, %sub3A_132 : vector<16xi32>
      %ge3A_134 = arith.constant 0 : i32
      %ge3A_135 = vector.broadcast %ge3A_134 : i32 to vector<16xi32>
      %ge3A_136 = arith.cmpi sge, %sub3A_133, %ge3A_135 : vector<16xi32>
      %lt3A_137 = arith.constant 5120 : i32
      %lt3A_138 = vector.broadcast %lt3A_137 : i32 to vector<16xi32>
      %lt3A_139 = arith.cmpi slt, %sub3A_133, %lt3A_138 : vector<16xi32>
      %and3A_140 = arith.andi %ge3A_136, %lt3A_139 : vector<16xi1>
      %jit3A_141 = arith.constant 5120 : i32
      %broadcast_in_dim3A_142 = vector.broadcast %jit3A_141 : i32 to vector<16xi32>
      %select_n3A_143 = arith.select %and3A_140, %sub3A_133, %broadcast_in_dim3A_142 : vector<16xi1>, vector<16xi32>
      %swap3A_144 = arith.constant 0 : i32
      %swap3A_145 = arith.index_cast %swap3A_144 : i32 to index
      %swap3A_146 = arith.constant 48 : index
      %swap3A_147 = tpu.vector_load %arg9[%swap3A_145, %swap3A_146] {strides = array<i32>} : memref<1x128xi32, #tpu.memory_space<vmem>>, vector<1x16xi32>,
      %swap3A_148 = vector.shape_cast %swap3A_147 : vector<1x16xi32> to vector<16xi32>
      %swap3A_149 = vector.shape_cast %select_n3A_143 : vector<16xi32> to vector<1x16xi32>
      tpu.vector_store %arg9[%swap3A_145, %swap3A_146], %swap3A_149 {strides = array<i32>} : memref<1x128xi32, #tpu.memory_space<vmem>>, vector<1x16xi32>,
      %mul3A_150 = arith.constant 128 : i32
      %mul3A_151 = arith.muli %while3A_52, %mul3A_150 : i32
      %add3A_152 = arith.constant 64 : i32
      %add3A_153 = arith.addi %mul3A_151, %add3A_152 : i32
      %get3A_154 = arith.index_cast %add3A_153 : i32 to index
      %get3A_155 = tpu.vector_load %arg8[%get3A_154] {strides = array<i32>} : memref<12160xi32, #tpu.memory_space<vmem>>, vector<16xi32>,
      %get3A_156 = vector.shape_cast %get3A_155 : vector<16xi32> to vector<16xi32>
      %sub3A_157 = arith.constant 5120 : i32
      %sub3A_158 = vector.broadcast %sub3A_157 : i32 to vector<16xi32>
      %sub3A_159 = arith.subi %get3A_156, %sub3A_158 : vector<16xi32>
      %ge3A_160 = arith.constant 0 : i32
      %ge3A_161 = vector.broadcast %ge3A_160 : i32 to vector<16xi32>
      %ge3A_162 = arith.cmpi sge, %sub3A_159, %ge3A_161 : vector<16xi32>
      %lt3A_163 = arith.constant 5120 : i32
      %lt3A_164 = vector.broadcast %lt3A_163 : i32 to vector<16xi32>
      %lt3A_165 = arith.cmpi slt, %sub3A_159, %lt3A_164 : vector<16xi32>
      %and3A_166 = arith.andi %ge3A_162, %lt3A_165 : vector<16xi1>
      %jit3A_167 = arith.constant 5120 : i32
      %broadcast_in_dim3A_168 = vector.broadcast %jit3A_167 : i32 to vector<16xi32>
      %select_n3A_169 = arith.select %and3A_166, %sub3A_159, %broadcast_in_dim3A_168 : vector<16xi1>, vector<16xi32>
      %swap3A_170 = arith.constant 0 : i32
      %swap3A_171 = arith.index_cast %swap3A_170 : i32 to index
      %swap3A_172 = arith.constant 64 : index
      %swap3A_173 = tpu.vector_load %arg9[%swap3A_171, %swap3A_172] {strides = array<i32>} : memref<1x128xi32, #tpu.memory_space<vmem>>, vector<1x16xi32>,
      %swap3A_174 = vector.shape_cast %swap3A_173 : vector<1x16xi32> to vector<16xi32>
      %swap3A_175 = vector.shape_cast %select_n3A_169 : vector<16xi32> to vector<1x16xi32>
      tpu.vector_store %arg9[%swap3A_171, %swap3A_172], %swap3A_175 {strides = array<i32>} : memref<1x128xi32, #tpu.memory_space<vmem>>, vector<1x16xi32>,
      %mul3A_176 = arith.constant 128 : i32
      %mul3A_177 = arith.muli %while3A_52, %mul3A_176 : i32
      %add3A_178 = arith.constant 80 : i32
      %add3A_179 = arith.addi %mul3A_177, %add3A_178 : i32
      %get3A_180 = arith.index_cast %add3A_179 : i32 to index
      %get3A_181 = tpu.vector_load %arg8[%get3A_180] {strides = array<i32>} : memref<12160xi32, #tpu.memory_space<vmem>>, vector<16xi32>,
      %get3A_182 = vector.shape_cast %get3A_181 : vector<16xi32> to vector<16xi32>
      %sub3A_183 = arith.constant 5120 : i32
      %sub3A_184 = vector.broadcast %sub3A_183 : i32 to vector<16xi32>
      %sub3A_185 = arith.subi %get3A_182, %sub3A_184 : vector<16xi32>
      %ge3A_186 = arith.constant 0 : i32
      %ge3A_187 = vector.broadcast %ge3A_186 : i32 to vector<16xi32>
      %ge3A_188 = arith.cmpi sge, %sub3A_185, %ge3A_187 : vector<16xi32>
      %lt3A_189 = arith.constant 5120 : i32
      %lt3A_190 = vector.broadcast %lt3A_189 : i32 to vector<16xi32>
      %lt3A_191 = arith.cmpi slt, %sub3A_185, %lt3A_190 : vector<16xi32>
      %and3A_192 = arith.andi %ge3A_188, %lt3A_191 : vector<16xi1>
      %jit3A_193 = arith.constant 5120 : i32
      %broadcast_in_dim3A_194 = vector.broadcast %jit3A_193 : i32 to vector<16xi32>
      %select_n3A_195 = arith.select %and3A_192, %sub3A_185, %broadcast_in_dim3A_194 : vector<16xi1>, vector<16xi32>
      %swap3A_196 = arith.constant 0 : i32
      %swap3A_197 = arith.index_cast %swap3A_196 : i32 to index
      %swap3A_198 = arith.constant 80 : index
      %swap3A_199 = tpu.vector_load %arg9[%swap3A_197, %swap3A_198] {strides = array<i32>} : memref<1x128xi32, #tpu.memory_space<vmem>>, vector<1x16xi32>,
      %swap3A_200 = vector.shape_cast %swap3A_199 : vector<1x16xi32> to vector<16xi32>
      %swap3A_201 = vector.shape_cast %select_n3A_195 : vector<16xi32> to vector<1x16xi32>
      tpu.vector_store %arg9[%swap3A_197, %swap3A_198], %swap3A_201 {strides = array<i32>} : memref<1x128xi32, #tpu.memory_space<vmem>>, vector<1x16xi32>,
      %mul3A_202 = arith.constant 128 : i32
      %mul3A_203 = arith.muli %while3A_52, %mul3A_202 : i32
      %add3A_204 = arith.constant 96 : i32
      %add3A_205 = arith.addi %mul3A_203, %add3A_204 : i32
      %get3A_206 = arith.index_cast %add3A_205 : i32 to index
      %get3A_207 = tpu.vector_load %arg8[%get3A_206] {strides = array<i32>} : memref<12160xi32, #tpu.memory_space<vmem>>, vector<16xi32>,
      %get3A_208 = vector.shape_cast %get3A_207 : vector<16xi32> to vector<16xi32>
      %sub3A_209 = arith.constant 5120 : i32
      %sub3A_210 = vector.broadcast %sub3A_209 : i32 to vector<16xi32>
      %sub3A_211 = arith.subi %get3A_208, %sub3A_210 : vector<16xi32>
      %ge3A_212 = arith.constant 0 : i32
      %ge3A_213 = vector.broadcast %ge3A_212 : i32 to vector<16xi32>
      %ge3A_214 = arith.cmpi sge, %sub3A_211, %ge3A_213 : vector<16xi32>
      %lt3A_215 = arith.constant 5120 : i32
      %lt3A_216 = vector.broadcast %lt3A_215 : i32 to vector<16xi32>
      %lt3A_217 = arith.cmpi slt, %sub3A_211, %lt3A_216 : vector<16xi32>
      %and3A_218 = arith.andi %ge3A_214, %lt3A_217 : vector<16xi1>
      %jit3A_219 = arith.constant 5120 : i32
      %broadcast_in_dim3A_220 = vector.broadcast %jit3A_219 : i32 to vector<16xi32>
      %select_n3A_221 = arith.select %and3A_218, %sub3A_211, %broadcast_in_dim3A_220 : vector<16xi1>, vector<16xi32>
      %swap3A_222 = arith.constant 0 : i32
      %swap3A_223 = arith.index_cast %swap3A_222 : i32 to index
      %swap3A_224 = arith.constant 96 : index
      %swap3A_225 = tpu.vector_load %arg9[%swap3A_223, %swap3A_224] {strides = array<i32>} : memref<1x128xi32, #tpu.memory_space<vmem>>, vector<1x16xi32>,
      %swap3A_226 = vector.shape_cast %swap3A_225 : vector<1x16xi32> to vector<16xi32>
      %swap3A_227 = vector.shape_cast %select_n3A_221 : vector<16xi32> to vector<1x16xi32>
      tpu.vector_store %arg9[%swap3A_223, %swap3A_224], %swap3A_227 {strides = array<i32>} : memref<1x128xi32, #tpu.memory_space<vmem>>, vector<1x16xi32>,
      %mul3A_228 = arith.constant 128 : i32
      %mul3A_229 = arith.muli %while3A_52, %mul3A_228 : i32
      %add3A_230 = arith.constant 112 : i32
      %add3A_231 = arith.addi %mul3A_229, %add3A_230 : i32
      %get3A_232 = arith.index_cast %add3A_231 : i32 to index
      %get3A_233 = tpu.vector_load %arg8[%get3A_232] {strides = array<i32>} : memref<12160xi32, #tpu.memory_space<vmem>>, vector<16xi32>,
      %get3A_234 = vector.shape_cast %get3A_233 : vector<16xi32> to vector<16xi32>
      %sub3A_235 = arith.constant 5120 : i32
      %sub3A_236 = vector.broadcast %sub3A_235 : i32 to vector<16xi32>
      %sub3A_237 = arith.subi %get3A_234, %sub3A_236 : vector<16xi32>
      %ge3A_238 = arith.constant 0 : i32
      %ge3A_239 = vector.broadcast %ge3A_238 : i32 to vector<16xi32>
      %ge3A_240 = arith.cmpi sge, %sub3A_237, %ge3A_239 : vector<16xi32>
      %lt3A_241 = arith.constant 5120 : i32
      %lt3A_242 = vector.broadcast %lt3A_241 : i32 to vector<16xi32>
      %lt3A_243 = arith.cmpi slt, %sub3A_237, %lt3A_242 : vector<16xi32>
      %and3A_244 = arith.andi %ge3A_240, %lt3A_243 : vector<16xi1>
      %jit3A_245 = arith.constant 5120 : i32
      %broadcast_in_dim3A_246 = vector.broadcast %jit3A_245 : i32 to vector<16xi32>
      %select_n3A_247 = arith.select %and3A_244, %sub3A_237, %broadcast_in_dim3A_246 : vector<16xi1>, vector<16xi32>
      %swap3A_248 = arith.constant 0 : i32
      %swap3A_249 = arith.index_cast %swap3A_248 : i32 to index
      %swap3A_250 = arith.constant 112 : index
      %swap3A_251 = tpu.vector_load %arg9[%swap3A_249, %swap3A_250] {strides = array<i32>} : memref<1x128xi32, #tpu.memory_space<vmem>>, vector<1x16xi32>,
      %swap3A_252 = vector.shape_cast %swap3A_251 : vector<1x16xi32> to vector<16xi32>
      %swap3A_253 = vector.shape_cast %select_n3A_247 : vector<16xi32> to vector<1x16xi32>
      tpu.vector_store %arg9[%swap3A_249, %swap3A_250], %swap3A_253 {strides = array<i32>} : memref<1x128xi32, #tpu.memory_space<vmem>>, vector<1x16xi32>,
      %dma_start3A = arith.constant 0 : i32
      %dma_start3A_254 = tpu.memref_slice %arg7[%while3A_52, %dma_start3A] : memref<95x128xi32, #tpu.memory_space<vmem>> -> memref<1x128xi32, #tpu.memory_space<vmem>>
      %dma_start3A_255 = tpu.memref_squeeze %dma_start3A_254 : memref<1x128xi32, #tpu.memory_space<vmem>> -> memref<128xi32, #tpu.memory_space<vmem>>
      %dma_start3A_256 = arith.constant 0 : i32
      %dma_start3A_257 = arith.constant 0 : i32
      %dma_start3A_258 = tpu.memref_slice %arg2[%dma_start3A_256, %dma_start3A_257] : memref<10240x128xf32, #tpu.memory_space<hbm>> -> memref<10240x128xf32, #tpu.memory_space<hbm>>
      tpu.enqueue_indirect_dma source(%dma_start3A_258 : memref<10240x128xf32, #tpu.memory_space<hbm>>) target(%arg10 : memref<128x128xf32, #tpu.memory_space<vmem>>) offsets(%dma_start3A_255 : memref<128xi32, #tpu.memory_space<vmem>>) semaphore(%arg13 : memref<!tpu.dma_semaphore, #tpu.memory_space<semaphore_mem>>)
      %dma_wait3A = arith.constant 0 : i32
      %dma_wait3A_259 = tpu.memref_slice %arg7[%while3A_52, %dma_wait3A] : memref<95x128xi32, #tpu.memory_space<vmem>> -> memref<1x128xi32, #tpu.memory_space<vmem>>
      %dma_wait3A_260 = tpu.memref_squeeze %dma_wait3A_259 : memref<1x128xi32, #tpu.memory_space<vmem>> -> memref<128xi32, #tpu.memory_space<vmem>>
      %dma_wait3A_261 = arith.constant 0 : i32
      %dma_wait3A_262 = arith.constant 0 : i32
      %dma_wait3A_263 = tpu.memref_slice %arg2[%dma_wait3A_261, %dma_wait3A_262] : memref<10240x128xf32, #tpu.memory_space<hbm>> -> memref<10240x128xf32, #tpu.memory_space<hbm>>
      tpu.wait_indirect_dma semaphore(%arg13 : memref<!tpu.dma_semaphore, #tpu.memory_space<semaphore_mem>>) src(%dma_wait3A_263 : memref<10240x128xf32, #tpu.memory_space<hbm>>) dst(%arg10 : memref<128x128xf32, #tpu.memory_space<vmem>>)
      %run_scoped3A = arith.constant 0 : i32
      "tpu.region"() ({
        %run_scoped3A_264 = tpu.sem_alloc : memref<!tpu.dma_semaphore, #tpu.memory_space<semaphore_mem>>
        %dma_start3A_265 = arith.constant 0 : i32
        %dma_start3A_266 = tpu.memref_slice %arg9[%run_scoped3A, %dma_start3A_265] : memref<1x128xi32, #tpu.memory_space<vmem>> -> memref<1x128xi32, #tpu.memory_space<vmem>>
        %dma_start3A_267 = tpu.memref_squeeze %dma_start3A_266 : memref<1x128xi32, #tpu.memory_space<vmem>> -> memref<128xi32, #tpu.memory_space<vmem>>
        %dma_start3A_268 = arith.constant 0 : i32
        %dma_start3A_269 = arith.constant 0 : i32
        %dma_start3A_270 = tpu.memref_slice %arg12[%dma_start3A_268, %dma_start3A_269] : memref<5248x128xf32, #tpu.memory_space<vmem_shared>> -> memref<5248x128xf32, #tpu.memory_space<vmem_shared>>
        tpu.enqueue_indirect_dma source(%arg10 : memref<128x128xf32, #tpu.memory_space<vmem>>) target(%dma_start3A_270 : memref<5248x128xf32, #tpu.memory_space<vmem_shared>>) offsets(%dma_start3A_267 : memref<128xi32, #tpu.memory_space<vmem>>) semaphore(%run_scoped3A_264 : memref<!tpu.dma_semaphore, #tpu.memory_space<semaphore_mem>>) {add = true}
        %dma_wait3A_271 = arith.constant 0 : i32
        %dma_wait3A_272 = tpu.memref_slice %arg9[%run_scoped3A, %dma_wait3A_271] : memref<1x128xi32, #tpu.memory_space<vmem>> -> memref<1x128xi32, #tpu.memory_space<vmem>>
        %dma_wait3A_273 = tpu.memref_squeeze %dma_wait3A_272 : memref<1x128xi32, #tpu.memory_space<vmem>> -> memref<128xi32, #tpu.memory_space<vmem>>
        %dma_wait3A_274 = arith.constant 0 : i32
        %dma_wait3A_275 = arith.constant 0 : i32
        %dma_wait3A_276 = tpu.memref_slice %arg12[%dma_wait3A_274, %dma_wait3A_275] : memref<5248x128xf32, #tpu.memory_space<vmem_shared>> -> memref<5248x128xf32, #tpu.memory_space<vmem_shared>>
        tpu.wait_indirect_dma semaphore(%run_scoped3A_264 : memref<!tpu.dma_semaphore, #tpu.memory_space<semaphore_mem>>) src(%arg10 : memref<128x128xf32, #tpu.memory_space<vmem>>) dst(%dma_wait3A_276 : memref<5248x128xf32, #tpu.memory_space<vmem_shared>>)
        tpu.yield
      }) : () -> ()
    }
    %while3A_43 = arith.constant 1 : i32
    scf.for %while3A_52 = %while3A_41 to %while3A_37 step %while3A_43  : i32 {
      %mul3A_53 = arith.constant 128 : i32
      %mul3A_54 = arith.muli %while3A_52, %mul3A_53 : i32
      %add3A_55 = arith.constant 0 : i32
      %add3A_56 = arith.addi %mul3A_54, %add3A_55 : i32
      %get3A = arith.index_cast %add3A_56 : i32 to index
      %get3A_57 = tpu.vector_load %arg8[%get3A] {strides = array<i32>} : memref<12160xi32, #tpu.memory_space<vmem>>, vector<16xi32>,
      %get3A_58 = vector.shape_cast %get3A_57 : vector<16xi32> to vector<16xi32>
      %sub3A = arith.constant 5120 : i32
      %sub3A_59 = vector.broadcast %sub3A : i32 to vector<16xi32>
      %sub3A_60 = arith.subi %get3A_58, %sub3A_59 : vector<16xi32>
      %ge3A = arith.constant 0 : i32
      %ge3A_61 = vector.broadcast %ge3A : i32 to vector<16xi32>
      %ge3A_62 = arith.cmpi sge, %sub3A_60, %ge3A_61 : vector<16xi32>
      %lt3A = arith.constant 5120 : i32
      %lt3A_63 = vector.broadcast %lt3A : i32 to vector<16xi32>
      %lt3A_64 = arith.cmpi slt, %sub3A_60, %lt3A_63 : vector<16xi32>
      %and3A = arith.andi %ge3A_62, %lt3A_64 : vector<16xi1>
      %jit3A_65 = arith.constant 5120 : i32
      %broadcast_in_dim3A = vector.broadcast %jit3A_65 : i32 to vector<16xi32>
      %select_n3A_66 = arith.select %and3A, %sub3A_60, %broadcast_in_dim3A : vector<16xi1>, vector<16xi32>
      %swap3A = arith.constant 0 : i32
      %swap3A_67 = arith.index_cast %swap3A : i32 to index
      %swap3A_68 = arith.constant 0 : index
      %swap3A_69 = tpu.vector_load %arg9[%swap3A_67, %swap3A_68] {strides = array<i32>} : memref<1x128xi32, #tpu.memory_space<vmem>>, vector<1x16xi32>,
      %swap3A_70 = vector.shape_cast %swap3A_69 : vector<1x16xi32> to vector<16xi32>
      %swap3A_71 = vector.shape_cast %select_n3A_66 : vector<16xi32> to vector<1x16xi32>
      tpu.vector_store %arg9[%swap3A_67, %swap3A_68], %swap3A_71 {strides = array<i32>} : memref<1x128xi32, #tpu.memory_space<vmem>>, vector<1x16xi32>,
      %mul3A_72 = arith.constant 128 : i32
      %mul3A_73 = arith.muli %while3A_52, %mul3A_72 : i32
      %add3A_74 = arith.constant 16 : i32
      %add3A_75 = arith.addi %mul3A_73, %add3A_74 : i32
      %get3A_76 = arith.index_cast %add3A_75 : i32 to index
      %get3A_77 = tpu.vector_load %arg8[%get3A_76] {strides = array<i32>} : memref<12160xi32, #tpu.memory_space<vmem>>, vector<16xi32>,
      %get3A_78 = vector.shape_cast %get3A_77 : vector<16xi32> to vector<16xi32>
      %sub3A_79 = arith.constant 5120 : i32
      %sub3A_80 = vector.broadcast %sub3A_79 : i32 to vector<16xi32>
      %sub3A_81 = arith.subi %get3A_78, %sub3A_80 : vector<16xi32>
      %ge3A_82 = arith.constant 0 : i32
      %ge3A_83 = vector.broadcast %ge3A_82 : i32 to vector<16xi32>
      %ge3A_84 = arith.cmpi sge, %sub3A_81, %ge3A_83 : vector<16xi32>
      %lt3A_85 = arith.constant 5120 : i32
      %lt3A_86 = vector.broadcast %lt3A_85 : i32 to vector<16xi32>
      %lt3A_87 = arith.cmpi slt, %sub3A_81, %lt3A_86 : vector<16xi32>
      %and3A_88 = arith.andi %ge3A_84, %lt3A_87 : vector<16xi1>
      %jit3A_89 = arith.constant 5120 : i32
      %broadcast_in_dim3A_90 = vector.broadcast %jit3A_89 : i32 to vector<16xi32>
      %select_n3A_91 = arith.select %and3A_88, %sub3A_81, %broadcast_in_dim3A_90 : vector<16xi1>, vector<16xi32>
      %swap3A_92 = arith.constant 0 : i32
      %swap3A_93 = arith.index_cast %swap3A_92 : i32 to index
      %swap3A_94 = arith.constant 16 : index
      %swap3A_95 = tpu.vector_load %arg9[%swap3A_93, %swap3A_94] {strides = array<i32>} : memref<1x128xi32, #tpu.memory_space<vmem>>, vector<1x16xi32>,
      %swap3A_96 = vector.shape_cast %swap3A_95 : vector<1x16xi32> to vector<16xi32>
      %swap3A_97 = vector.shape_cast %select_n3A_91 : vector<16xi32> to vector<1x16xi32>
      tpu.vector_store %arg9[%swap3A_93, %swap3A_94], %swap3A_97 {strides = array<i32>} : memref<1x128xi32, #tpu.memory_space<vmem>>, vector<1x16xi32>,
      %mul3A_98 = arith.constant 128 : i32
      %mul3A_99 = arith.muli %while3A_52, %mul3A_98 : i32
      %add3A_100 = arith.constant 32 : i32
      %add3A_101 = arith.addi %mul3A_99, %add3A_100 : i32
      %get3A_102 = arith.index_cast %add3A_101 : i32 to index
      %get3A_103 = tpu.vector_load %arg8[%get3A_102] {strides = array<i32>} : memref<12160xi32, #tpu.memory_space<vmem>>, vector<16xi32>,
      %get3A_104 = vector.shape_cast %get3A_103 : vector<16xi32> to vector<16xi32>
      %sub3A_105 = arith.constant 5120 : i32
      %sub3A_106 = vector.broadcast %sub3A_105 : i32 to vector<16xi32>
      %sub3A_107 = arith.subi %get3A_104, %sub3A_106 : vector<16xi32>
      %ge3A_108 = arith.constant 0 : i32
      %ge3A_109 = vector.broadcast %ge3A_108 : i32 to vector<16xi32>
      %ge3A_110 = arith.cmpi sge, %sub3A_107, %ge3A_109 : vector<16xi32>
      %lt3A_111 = arith.constant 5120 : i32
      %lt3A_112 = vector.broadcast %lt3A_111 : i32 to vector<16xi32>
      %lt3A_113 = arith.cmpi slt, %sub3A_107, %lt3A_112 : vector<16xi32>
      %and3A_114 = arith.andi %ge3A_110, %lt3A_113 : vector<16xi1>
      %jit3A_115 = arith.constant 5120 : i32
      %broadcast_in_dim3A_116 = vector.broadcast %jit3A_115 : i32 to vector<16xi32>
      %select_n3A_117 = arith.select %and3A_114, %sub3A_107, %broadcast_in_dim3A_116 : vector<16xi1>, vector<16xi32>
      %swap3A_118 = arith.constant 0 : i32
      %swap3A_119 = arith.index_cast %swap3A_118 : i32 to index
      %swap3A_120 = arith.constant 32 : index
      %swap3A_121 = tpu.vector_load %arg9[%swap3A_119, %swap3A_120] {strides = array<i32>} : memref<1x128xi32, #tpu.memory_space<vmem>>, vector<1x16xi32>,
      %swap3A_122 = vector.shape_cast %swap3A_121 : vector<1x16xi32> to vector<16xi32>
      %swap3A_123 = vector.shape_cast %select_n3A_117 : vector<16xi32> to vector<1x16xi32>
      tpu.vector_store %arg9[%swap3A_119, %swap3A_120], %swap3A_123 {strides = array<i32>} : memref<1x128xi32, #tpu.memory_space<vmem>>, vector<1x16xi32>,
      %mul3A_124 = arith.constant 128 : i32
      %mul3A_125 = arith.muli %while3A_52, %mul3A_124 : i32
      %add3A_126 = arith.constant 48 : i32
      %add3A_127 = arith.addi %mul3A_125, %add3A_126 : i32
      %get3A_128 = arith.index_cast %add3A_127 : i32 to index
      %get3A_129 = tpu.vector_load %arg8[%get3A_128] {strides = array<i32>} : memref<12160xi32, #tpu.memory_space<vmem>>, vector<16xi32>,
      %get3A_130 = vector.shape_cast %get3A_129 : vector<16xi32> to vector<16xi32>
      %sub3A_131 = arith.constant 5120 : i32
      %sub3A_132 = vector.broadcast %sub3A_131 : i32 to vector<16xi32>
      %sub3A_133 = arith.subi %get3A_130, %sub3A_132 : vector<16xi32>
      %ge3A_134 = arith.constant 0 : i32
      %ge3A_135 = vector.broadcast %ge3A_134 : i32 to vector<16xi32>
      %ge3A_136 = arith.cmpi sge, %sub3A_133, %ge3A_135 : vector<16xi32>
      %lt3A_137 = arith.constant 5120 : i32
      %lt3A_138 = vector.broadcast %lt3A_137 : i32 to vector<16xi32>
      %lt3A_139 = arith.cmpi slt, %sub3A_133, %lt3A_138 : vector<16xi32>
      %and3A_140 = arith.andi %ge3A_136, %lt3A_139 : vector<16xi1>
      %jit3A_141 = arith.constant 5120 : i32
      %broadcast_in_dim3A_142 = vector.broadcast %jit3A_141 : i32 to vector<16xi32>
      %select_n3A_143 = arith.select %and3A_140, %sub3A_133, %broadcast_in_dim3A_142 : vector<16xi1>, vector<16xi32>
      %swap3A_144 = arith.constant 0 : i32
      %swap3A_145 = arith.index_cast %swap3A_144 : i32 to index
      %swap3A_146 = arith.constant 48 : index
      %swap3A_147 = tpu.vector_load %arg9[%swap3A_145, %swap3A_146] {strides = array<i32>} : memref<1x128xi32, #tpu.memory_space<vmem>>, vector<1x16xi32>,
      %swap3A_148 = vector.shape_cast %swap3A_147 : vector<1x16xi32> to vector<16xi32>
      %swap3A_149 = vector.shape_cast %select_n3A_143 : vector<16xi32> to vector<1x16xi32>
      tpu.vector_store %arg9[%swap3A_145, %swap3A_146], %swap3A_149 {strides = array<i32>} : memref<1x128xi32, #tpu.memory_space<vmem>>, vector<1x16xi32>,
      %mul3A_150 = arith.constant 128 : i32
      %mul3A_151 = arith.muli %while3A_52, %mul3A_150 : i32
      %add3A_152 = arith.constant 64 : i32
      %add3A_153 = arith.addi %mul3A_151, %add3A_152 : i32
      %get3A_154 = arith.index_cast %add3A_153 : i32 to index
      %get3A_155 = tpu.vector_load %arg8[%get3A_154] {strides = array<i32>} : memref<12160xi32, #tpu.memory_space<vmem>>, vector<16xi32>,
      %get3A_156 = vector.shape_cast %get3A_155 : vector<16xi32> to vector<16xi32>
      %sub3A_157 = arith.constant 5120 : i32
      %sub3A_158 = vector.broadcast %sub3A_157 : i32 to vector<16xi32>
      %sub3A_159 = arith.subi %get3A_156, %sub3A_158 : vector<16xi32>
      %ge3A_160 = arith.constant 0 : i32
      %ge3A_161 = vector.broadcast %ge3A_160 : i32 to vector<16xi32>
      %ge3A_162 = arith.cmpi sge, %sub3A_159, %ge3A_161 : vector<16xi32>
      %lt3A_163 = arith.constant 5120 : i32
      %lt3A_164 = vector.broadcast %lt3A_163 : i32 to vector<16xi32>
      %lt3A_165 = arith.cmpi slt, %sub3A_159, %lt3A_164 : vector<16xi32>
      %and3A_166 = arith.andi %ge3A_162, %lt3A_165 : vector<16xi1>
      %jit3A_167 = arith.constant 5120 : i32
      %broadcast_in_dim3A_168 = vector.broadcast %jit3A_167 : i32 to vector<16xi32>
      %select_n3A_169 = arith.select %and3A_166, %sub3A_159, %broadcast_in_dim3A_168 : vector<16xi1>, vector<16xi32>
      %swap3A_170 = arith.constant 0 : i32
      %swap3A_171 = arith.index_cast %swap3A_170 : i32 to index
      %swap3A_172 = arith.constant 64 : index
      %swap3A_173 = tpu.vector_load %arg9[%swap3A_171, %swap3A_172] {strides = array<i32>} : memref<1x128xi32, #tpu.memory_space<vmem>>, vector<1x16xi32>,
      %swap3A_174 = vector.shape_cast %swap3A_173 : vector<1x16xi32> to vector<16xi32>
      %swap3A_175 = vector.shape_cast %select_n3A_169 : vector<16xi32> to vector<1x16xi32>
      tpu.vector_store %arg9[%swap3A_171, %swap3A_172], %swap3A_175 {strides = array<i32>} : memref<1x128xi32, #tpu.memory_space<vmem>>, vector<1x16xi32>,
      %mul3A_176 = arith.constant 128 : i32
      %mul3A_177 = arith.muli %while3A_52, %mul3A_176 : i32
      %add3A_178 = arith.constant 80 : i32
      %add3A_179 = arith.addi %mul3A_177, %add3A_178 : i32
      %get3A_180 = arith.index_cast %add3A_179 : i32 to index
      %get3A_181 = tpu.vector_load %arg8[%get3A_180] {strides = array<i32>} : memref<12160xi32, #tpu.memory_space<vmem>>, vector<16xi32>,
      %get3A_182 = vector.shape_cast %get3A_181 : vector<16xi32> to vector<16xi32>
      %sub3A_183 = arith.constant 5120 : i32
      %sub3A_184 = vector.broadcast %sub3A_183 : i32 to vector<16xi32>
      %sub3A_185 = arith.subi %get3A_182, %sub3A_184 : vector<16xi32>
      %ge3A_186 = arith.constant 0 : i32
      %ge3A_187 = vector.broadcast %ge3A_186 : i32 to vector<16xi32>
      %ge3A_188 = arith.cmpi sge, %sub3A_185, %ge3A_187 : vector<16xi32>
      %lt3A_189 = arith.constant 5120 : i32
      %lt3A_190 = vector.broadcast %lt3A_189 : i32 to vector<16xi32>
      %lt3A_191 = arith.cmpi slt, %sub3A_185, %lt3A_190 : vector<16xi32>
      %and3A_192 = arith.andi %ge3A_188, %lt3A_191 : vector<16xi1>
      %jit3A_193 = arith.constant 5120 : i32
      %broadcast_in_dim3A_194 = vector.broadcast %jit3A_193 : i32 to vector<16xi32>
      %select_n3A_195 = arith.select %and3A_192, %sub3A_185, %broadcast_in_dim3A_194 : vector<16xi1>, vector<16xi32>
      %swap3A_196 = arith.constant 0 : i32
      %swap3A_197 = arith.index_cast %swap3A_196 : i32 to index
      %swap3A_198 = arith.constant 80 : index
      %swap3A_199 = tpu.vector_load %arg9[%swap3A_197, %swap3A_198] {strides = array<i32>} : memref<1x128xi32, #tpu.memory_space<vmem>>, vector<1x16xi32>,
      %swap3A_200 = vector.shape_cast %swap3A_199 : vector<1x16xi32> to vector<16xi32>
      %swap3A_201 = vector.shape_cast %select_n3A_195 : vector<16xi32> to vector<1x16xi32>
      tpu.vector_store %arg9[%swap3A_197, %swap3A_198], %swap3A_201 {strides = array<i32>} : memref<1x128xi32, #tpu.memory_space<vmem>>, vector<1x16xi32>,
      %mul3A_202 = arith.constant 128 : i32
      %mul3A_203 = arith.muli %while3A_52, %mul3A_202 : i32
      %add3A_204 = arith.constant 96 : i32
      %add3A_205 = arith.addi %mul3A_203, %add3A_204 : i32
      %get3A_206 = arith.index_cast %add3A_205 : i32 to index
      %get3A_207 = tpu.vector_load %arg8[%get3A_206] {strides = array<i32>} : memref<12160xi32, #tpu.memory_space<vmem>>, vector<16xi32>,
      %get3A_208 = vector.shape_cast %get3A_207 : vector<16xi32> to vector<16xi32>
      %sub3A_209 = arith.constant 5120 : i32
      %sub3A_210 = vector.broadcast %sub3A_209 : i32 to vector<16xi32>
      %sub3A_211 = arith.subi %get3A_208, %sub3A_210 : vector<16xi32>
      %ge3A_212 = arith.constant 0 : i32
      %ge3A_213 = vector.broadcast %ge3A_212 : i32 to vector<16xi32>
      %ge3A_214 = arith.cmpi sge, %sub3A_211, %ge3A_213 : vector<16xi32>
      %lt3A_215 = arith.constant 5120 : i32
      %lt3A_216 = vector.broadcast %lt3A_215 : i32 to vector<16xi32>
      %lt3A_217 = arith.cmpi slt, %sub3A_211, %lt3A_216 : vector<16xi32>
      %and3A_218 = arith.andi %ge3A_214, %lt3A_217 : vector<16xi1>
      %jit3A_219 = arith.constant 5120 : i32
      %broadcast_in_dim3A_220 = vector.broadcast %jit3A_219 : i32 to vector<16xi32>
      %select_n3A_221 = arith.select %and3A_218, %sub3A_211, %broadcast_in_dim3A_220 : vector<16xi1>, vector<16xi32>
      %swap3A_222 = arith.constant 0 : i32
      %swap3A_223 = arith.index_cast %swap3A_222 : i32 to index
      %swap3A_224 = arith.constant 96 : index
      %swap3A_225 = tpu.vector_load %arg9[%swap3A_223, %swap3A_224] {strides = array<i32>} : memref<1x128xi32, #tpu.memory_space<vmem>>, vector<1x16xi32>,
      %swap3A_226 = vector.shape_cast %swap3A_225 : vector<1x16xi32> to vector<16xi32>
      %swap3A_227 = vector.shape_cast %select_n3A_221 : vector<16xi32> to vector<1x16xi32>
      tpu.vector_store %arg9[%swap3A_223, %swap3A_224], %swap3A_227 {strides = array<i32>} : memref<1x128xi32, #tpu.memory_space<vmem>>, vector<1x16xi32>,
      %mul3A_228 = arith.constant 128 : i32
      %mul3A_229 = arith.muli %while3A_52, %mul3A_228 : i32
      %add3A_230 = arith.constant 112 : i32
      %add3A_231 = arith.addi %mul3A_229, %add3A_230 : i32
      %get3A_232 = arith.index_cast %add3A_231 : i32 to index
      %get3A_233 = tpu.vector_load %arg8[%get3A_232] {strides = array<i32>} : memref<12160xi32, #tpu.memory_space<vmem>>, vector<16xi32>,
      %get3A_234 = vector.shape_cast %get3A_233 : vector<16xi32> to vector<16xi32>
      %sub3A_235 = arith.constant 5120 : i32
      %sub3A_236 = vector.broadcast %sub3A_235 : i32 to vector<16xi32>
      %sub3A_237 = arith.subi %get3A_234, %sub3A_236 : vector<16xi32>
      %ge3A_238 = arith.constant 0 : i32
      %ge3A_239 = vector.broadcast %ge3A_238 : i32 to vector<16xi32>
      %ge3A_240 = arith.cmpi sge, %sub3A_237, %ge3A_239 : vector<16xi32>
      %lt3A_241 = arith.constant 5120 : i32
      %lt3A_242 = vector.broadcast %lt3A_241 : i32 to vector<16xi32>
      %lt3A_243 = arith.cmpi slt, %sub3A_237, %lt3A_242 : vector<16xi32>
      %and3A_244 = arith.andi %ge3A_240, %lt3A_243 : vector<16xi1>
      %jit3A_245 = arith.constant 5120 : i32
      %broadcast_in_dim3A_246 = vector.broadcast %jit3A_245 : i32 to vector<16xi32>
      %select_n3A_247 = arith.select %and3A_244, %sub3A_237, %broadcast_in_dim3A_246 : vector<16xi1>, vector<16xi32>
      %swap3A_248 = arith.constant 0 : i32
      %swap3A_249 = arith.index_cast %swap3A_248 : i32 to index
      %swap3A_250 = arith.constant 112 : index
      %swap3A_251 = tpu.vector_load %arg9[%swap3A_249, %swap3A_250] {strides = array<i32>} : memref<1x128xi32, #tpu.memory_space<vmem>>, vector<1x16xi32>,
      %swap3A_252 = vector.shape_cast %swap3A_251 : vector<1x16xi32> to vector<16xi32>
      %swap3A_253 = vector.shape_cast %select_n3A_247 : vector<16xi32> to vector<1x16xi32>
      tpu.vector_store %arg9[%swap3A_249, %swap3A_250], %swap3A_253 {strides = array<i32>} : memref<1x128xi32, #tpu.memory_space<vmem>>, vector<1x16xi32>,
      %dma_start3A = arith.constant 0 : i32
      %dma_start3A_254 = tpu.memref_slice %arg7[%while3A_52, %dma_start3A] : memref<95x128xi32, #tpu.memory_space<vmem>> -> memref<1x128xi32, #tpu.memory_space<vmem>>
      %dma_start3A_255 = tpu.memref_squeeze %dma_start3A_254 : memref<1x128xi32, #tpu.memory_space<vmem>> -> memref<128xi32, #tpu.memory_space<vmem>>
      %dma_start3A_256 = arith.constant 0 : i32
      %dma_start3A_257 = arith.constant 0 : i32
      %dma_start3A_258 = tpu.memref_slice %arg2[%dma_start3A_256, %dma_start3A_257] : memref<10240x128xf32, #tpu.memory_space<hbm>> -> memref<10240x128xf32, #tpu.memory_space<hbm>>
      tpu.enqueue_indirect_dma source(%dma_start3A_258 : memref<10240x128xf32, #tpu.memory_space<hbm>>) target(%arg10 : memref<128x128xf32, #tpu.memory_space<vmem>>) offsets(%dma_start3A_255 : memref<128xi32, #tpu.memory_space<vmem>>) semaphore(%arg13 : memref<!tpu.dma_semaphore, #tpu.memory_space<semaphore_mem>>)
      %dma_wait3A = arith.constant 0 : i32
      %dma_wait3A_259 = tpu.memref_slice %arg7[%while3A_52, %dma_wait3A] : memref<95x128xi32, #tpu.memory_space<vmem>> -> memref<1x128xi32, #tpu.memory_space<vmem>>
      %dma_wait3A_260 = tpu.memref_squeeze %dma_wait3A_259 : memref<1x128xi32, #tpu.memory_space<vmem>> -> memref<128xi32, #tpu.memory_space<vmem>>
      %dma_wait3A_261 = arith.constant 0 : i32
      %dma_wait3A_262 = arith.constant 0 : i32
      %dma_wait3A_263 = tpu.memref_slice %arg2[%dma_wait3A_261, %dma_wait3A_262] : memref<10240x128xf32, #tpu.memory_space<hbm>> -> memref<10240x128xf32, #tpu.memory_space<hbm>>
      tpu.wait_indirect_dma semaphore(%arg13 : memref<!tpu.dma_semaphore, #tpu.memory_space<semaphore_mem>>) src(%dma_wait3A_263 : memref<10240x128xf32, #tpu.memory_space<hbm>>) dst(%arg10 : memref<128x128xf32, #tpu.memory_space<vmem>>)
      %run_scoped3A = arith.constant 0 : i32
      "tpu.region"() ({
        %run_scoped3A_264 = tpu.sem_alloc : memref<!tpu.dma_semaphore, #tpu.memory_space<semaphore_mem>>
        %dma_start3A_265 = arith.constant 0 : i32
        %dma_start3A_266 = tpu.memref_slice %arg9[%run_scoped3A, %dma_start3A_265] : memref<1x128xi32, #tpu.memory_space<vmem>> -> memref<1x128xi32, #tpu.memory_space<vmem>>
        %dma_start3A_267 = tpu.memref_squeeze %dma_start3A_266 : memref<1x128xi32, #tpu.memory_space<vmem>> -> memref<128xi32, #tpu.memory_space<vmem>>
        %dma_start3A_268 = arith.constant 0 : i32
        %dma_start3A_269 = arith.constant 0 : i32
        %dma_start3A_270 = tpu.memref_slice %arg12[%dma_start3A_268, %dma_start3A_269] : memref<5248x128xf32, #tpu.memory_space<vmem_shared>> -> memref<5248x128xf32, #tpu.memory_space<vmem_shared>>
        tpu.enqueue_indirect_dma source(%arg10 : memref<128x128xf32, #tpu.memory_space<vmem>>) target(%dma_start3A_270 : memref<5248x128xf32, #tpu.memory_space<vmem_shared>>) offsets(%dma_start3A_267 : memref<128xi32, #tpu.memory_space<vmem>>) semaphore(%run_scoped3A_264 : memref<!tpu.dma_semaphore, #tpu.memory_space<semaphore_mem>>) {add = true}
        %dma_wait3A_271 = arith.constant 0 : i32
        %dma_wait3A_272 = tpu.memref_slice %arg9[%run_scoped3A, %dma_wait3A_271] : memref<1x128xi32, #tpu.memory_space<vmem>> -> memref<1x128xi32, #tpu.memory_space<vmem>>
        %dma_wait3A_273 = tpu.memref_squeeze %dma_wait3A_272 : memref<1x128xi32, #tpu.memory_space<vmem>> -> memref<128xi32, #tpu.memory_space<vmem>>
        %dma_wait3A_274 = arith.constant 0 : i32
        %dma_wait3A_275 = arith.constant 0 : i32
        %dma_wait3A_276 = tpu.memref_slice %arg12[%dma_wait3A_274, %dma_wait3A_275] : memref<5248x128xf32, #tpu.memory_space<vmem_shared>> -> memref<5248x128xf32, #tpu.memory_space<vmem_shared>>
        tpu.wait_indirect_dma semaphore(%run_scoped3A_264 : memref<!tpu.dma_semaphore, #tpu.memory_space<semaphore_mem>>) src(%arg10 : memref<128x128xf32, #tpu.memory_space<vmem>>) dst(%dma_wait3A_276 : memref<5248x128xf32, #tpu.memory_space<vmem_shared>>)
        tpu.yield
      }) : () -> ()
    }
    %barrier3A_44 = arith.constant 0 : index
    tpu.barrier barrier_id(%barrier3A_44)
    %mul3A_45 = arith.constant 320 : i32
    %mul3A_46 = arith.muli %arg1, %mul3A_45 : i32
    %mul3A_47 = arith.constant 320 : i32
    %mul3A_48 = arith.muli %arg1, %mul3A_47 : i32
    %add3A_49 = arith.constant 5120 : i32
    %add3A_50 = arith.addi %add3A_49, %mul3A_48 : i32
    "tpu.region"() ({
      %run_scoped3A = tpu.sem_alloc : memref<!tpu.dma_semaphore, #tpu.memory_space<semaphore_mem>>
      %dma_start3A = arith.constant 0 : i32
      %dma_start3A_52 = tpu.memref_slice %arg6[%arg0, %add3A_50, %dma_start3A] : memref<2x10240x128xf32, #tpu.memory_space<hbm>> -> memref<1x320x128xf32, #tpu.memory_space<hbm>>
      %dma_start3A_53 = tpu.memref_squeeze %dma_start3A_52 : memref<1x320x128xf32, #tpu.memory_space<hbm>> -> memref<320x128xf32, #tpu.memory_space<hbm>>
      %dma_start3A_54 = arith.constant 0 : i32
      %dma_start3A_55 = tpu.memref_slice %arg12[%mul3A_46, %dma_start3A_54] : memref<5248x128xf32, #tpu.memory_space<vmem_shared>> -> memref<320x128xf32, #tpu.memory_space<vmem_shared>>
      tpu.enqueue_dma source(%dma_start3A_55 : memref<320x128xf32, #tpu.memory_space<vmem_shared>>) target(%dma_start3A_53 : memref<320x128xf32, #tpu.memory_space<hbm>>) target_semaphore(%run_scoped3A : memref<!tpu.dma_semaphore, #tpu.memory_space<semaphore_mem>>)
      %dma_wait3A = arith.constant 0 : i32
      %dma_wait3A_56 = tpu.memref_slice %arg6[%arg0, %add3A_50, %dma_wait3A] : memref<2x10240x128xf32, #tpu.memory_space<hbm>> -> memref<1x320x128xf32, #tpu.memory_space<hbm>>
      %dma_wait3A_57 = tpu.memref_squeeze %dma_wait3A_56 : memref<1x320x128xf32, #tpu.memory_space<hbm>> -> memref<320x128xf32, #tpu.memory_space<hbm>>
      %dma_wait3A_58 = arith.constant 0 : i32
      %dma_wait3A_59 = tpu.memref_slice %arg12[%mul3A_46, %dma_wait3A_58] : memref<5248x128xf32, #tpu.memory_space<vmem_shared>> -> memref<320x128xf32, #tpu.memory_space<vmem_shared>>
      tpu.wait_dma2 semaphore(%run_scoped3A : memref<!tpu.dma_semaphore, #tpu.memory_space<semaphore_mem>>) src(%dma_wait3A_59 : memref<320x128xf32, #tpu.memory_space<vmem_shared>>) dst(%dma_wait3A_57 : memref<320x128xf32, #tpu.memory_space<hbm>>)
      tpu.yield
    }) : () -> ()
    %barrier3A_51 = arith.constant 0 : index
    tpu.barrier barrier_id(%barrier3A_51)
    return
  }
}

module attributes {stable_mosaic.version = 14 : i64} {
  func.func @_mm_body(%arg0: i32, %arg1: memref<2048x128xf32, #tpu.memory_space<vmem>>, %arg2: memref<128x128xf32, #tpu.memory_space<vmem>>, %arg3: memref<2048x128xf32, #tpu.memory_space<vmem>>) attributes {dimension_semantics = [#tpu.dimension_semantics<arbitrary>], iteration_bounds = array<i64: 5>, scalar_prefetch = 0 : i64, scratch_operands = 0 : i64, tpu.core_type = #tpu.core_type<tc>, window_params = [{transform_indices = @transform_0, window_bounds = array<i64: 2048, 128>}, {pipeline_mode = #tpu.pipeline_mode<synchronous>, transform_indices = @transform_1, window_bounds = array<i64: 128, 128>}, {transform_indices = @transform_2, window_bounds = array<i64: 2048, 128>}]} {
    %get3A = arith.constant 0 : index
    %get3A_0 = arith.constant 0 : index
    %get3A_1 = vector.load %arg1[%get3A, %get3A_0] : memref<2048x128xf32, #tpu.memory_space<vmem>>, vector<2048x128xf32>
    %get3A_2 = arith.constant 0 : index
    %get3A_3 = arith.constant 0 : index
    %get3A_4 = vector.load %arg2[%get3A_2, %get3A_3] : memref<128x128xf32, #tpu.memory_space<vmem>>, vector<128x128xf32>
    %dot_general3A = arith.constant dense<0.000000e+00> : vector<2048x128xf32>
    %dot_general3A_5 = tpu.matmul %get3A_1, %get3A_4, %dot_general3A {dimension_numbers = #tpu.dot_dimension_numbers<[1], [0], [0], [1], [0, 0, 1, 1], [], []>, transpose_lhs_hint = false} : vector<2048x128xf32>, vector<128x128xf32>, vector<2048x128xf32> -> vector<2048x128xf32>
    %swap3A = arith.constant 0 : index
    %swap3A_6 = arith.constant 0 : index
    %swap3A_7 = vector.load %arg3[%swap3A, %swap3A_6] : memref<2048x128xf32, #tpu.memory_space<vmem>>, vector<2048x128xf32>
    tpu.vector_store %arg3[%swap3A, %swap3A_6], %dot_general3A_5 {strides = array<i32>} : memref<2048x128xf32, #tpu.memory_space<vmem>>, vector<2048x128xf32>,
    return
  }
  func.func @transform_0(%arg0: i32) -> (i32, i32) {
    %c0_i32 = arith.constant 0 : i32
    %c0_i32_0 = arith.constant 0 : i32
    return %arg0, %c0_i32 : i32, i32
  }
  func.func @transform_1(%arg0: i32) -> (i32, i32) {
    %c0_i32 = arith.constant 0 : i32
    %c0_i32_0 = arith.constant 0 : i32
    %c0_i32_1 = arith.constant 0 : i32
    return %c0_i32, %c0_i32_0 : i32, i32
  }
  func.func @transform_2(%arg0: i32) -> (i32, i32) {
    %c0_i32 = arith.constant 0 : i32
    %c0_i32_0 = arith.constant 0 : i32
    return %arg0, %c0_i32 : i32, i32
  }
}

module attributes {stable_mosaic.version = 14 : i64} {
  func.func @_scale_body(%arg0: i32, %arg1: memref<2048x128xf32, #tpu.memory_space<vmem>>, %arg2: memref<16x2048xf32, #tpu.memory_space<vmem>>, %arg3: memref<2048x128xf32, #tpu.memory_space<vmem>>, %arg4: memref<2048x1xf32, #tpu.memory_space<vmem>>) attributes {dimension_semantics = [#tpu.dimension_semantics<arbitrary>], iteration_bounds = array<i64: 5>, scalar_prefetch = 0 : i64, scratch_operands = 0 : i64, tpu.core_type = #tpu.core_type<tc>, window_params = [{transform_indices = @transform_0, window_bounds = array<i64: 2048, 128>}, {transform_indices = @transform_1, window_bounds = array<i64: 16, 2048>}, {transform_indices = @transform_2, window_bounds = array<i64: 2048, 128>}, {transform_indices = @transform_3, window_bounds = array<i64: 2048, 1>}]} {
    %broadcast_in_dim3A = arith.constant 1.000000e+00 : f32
    %broadcast_in_dim3A_0 = vector.broadcast %broadcast_in_dim3A : f32 to vector<16x1xf32>
    %get3A = arith.constant 0 : index
    %get3A_1 = arith.constant 0 : index
    %get3A_2 = vector.load %arg2[%get3A, %get3A_1] : memref<16x2048xf32, #tpu.memory_space<vmem>>, vector<16x2048xf32>
    %dot_general3A = arith.constant dense<0.000000e+00> : vector<2048x1xf32>
    %dot_general3A_3 = tpu.matmul %get3A_2, %broadcast_in_dim3A_0, %dot_general3A {dimension_numbers = #tpu.dot_dimension_numbers<[0], [0], [1], [1], [0, 1, 1, 1], [], []>, transpose_lhs_hint = false} : vector<16x2048xf32>, vector<16x1xf32>, vector<2048x1xf32> -> vector<2048x1xf32>
    %max3A = arith.constant 1.000000e+00 : f32
    %max3A_4 = vector.broadcast %max3A : f32 to vector<2048x1xf32>
    %max3A_5 = arith.maximumf %dot_general3A_3, %max3A_4 : vector<2048x1xf32>
    %rsqrt3A = math.rsqrt %max3A_5 : vector<2048x1xf32>
    %swap3A = arith.constant 0 : index
    %swap3A_6 = arith.constant 0 : index
    %swap3A_7 = vector.load %arg4[%swap3A, %swap3A_6] : memref<2048x1xf32, #tpu.memory_space<vmem>>, vector<2048x1xf32>
    tpu.vector_store %arg4[%swap3A, %swap3A_6], %rsqrt3A {strides = array<i32>} : memref<2048x1xf32, #tpu.memory_space<vmem>>, vector<2048x1xf32>,
    %get3A_8 = arith.constant 0 : index
    %get3A_9 = arith.constant 0 : index
    %get3A_10 = vector.load %arg1[%get3A_8, %get3A_9] : memref<2048x128xf32, #tpu.memory_space<vmem>>, vector<2048x128xf32>
    %mul3A = vector.broadcast %rsqrt3A : vector<2048x1xf32> to vector<2048x128xf32>
    %mul3A_11 = arith.mulf %get3A_10, %mul3A : vector<2048x128xf32>
    %swap3A_12 = arith.constant 0 : index
    %swap3A_13 = arith.constant 0 : index
    %swap3A_14 = vector.load %arg3[%swap3A_12, %swap3A_13] : memref<2048x128xf32, #tpu.memory_space<vmem>>, vector<2048x128xf32>
    tpu.vector_store %arg3[%swap3A_12, %swap3A_13], %mul3A_11 {strides = array<i32>} : memref<2048x128xf32, #tpu.memory_space<vmem>>, vector<2048x128xf32>,
    return
  }
  func.func @transform_0(%arg0: i32) -> (i32, i32) {
    %c0_i32 = arith.constant 0 : i32
    %c0_i32_0 = arith.constant 0 : i32
    return %arg0, %c0_i32 : i32, i32
  }
  func.func @transform_1(%arg0: i32) -> (i32, i32) {
    %c0_i32 = arith.constant 0 : i32
    %c0_i32_0 = arith.constant 0 : i32
    return %c0_i32, %arg0 : i32, i32
  }
  func.func @transform_2(%arg0: i32) -> (i32, i32) {
    %c0_i32 = arith.constant 0 : i32
    %c0_i32_0 = arith.constant 0 : i32
    return %arg0, %c0_i32 : i32, i32
  }
  func.func @transform_3(%arg0: i32) -> (i32, i32) {
    %c0_i32 = arith.constant 0 : i32
    %c0_i32_0 = arith.constant 0 : i32
    return %arg0, %c0_i32 : i32, i32
  }
}

module attributes {stable_mosaic.version = 14 : i64} {
  func.func @_loss_body(%arg0: i32, %arg1: memref<2x2048x128xf32, #tpu.memory_space<vmem>>, %arg2: memref<2048x1xf32, #tpu.memory_space<vmem>>, %arg3: memref<1x128xf32, #tpu.memory_space<vmem>>, %arg4: memref<128x128xf32, #tpu.memory_space<vmem>>, %arg5: memref<1x128xf32, #tpu.memory_space<vmem>>, %arg6: memref<1x1xf32, #tpu.memory_space<vmem>>) attributes {dimension_semantics = [#tpu.dimension_semantics<arbitrary>], iteration_bounds = array<i64: 5>, scalar_prefetch = 0 : i64, scratch_operands = 0 : i64, tpu.core_type = #tpu.core_type<tc>, window_params = [{transform_indices = @transform_0, window_bounds = array<i64: 2, 2048, 128>}, {transform_indices = @transform_1, window_bounds = array<i64: 2048, 1>}, {pipeline_mode = #tpu.pipeline_mode<synchronous>, transform_indices = @transform_2, window_bounds = array<i64: 1, 128>}, {pipeline_mode = #tpu.pipeline_mode<synchronous>, transform_indices = @transform_3, window_bounds = array<i64: 128, 128>}, {pipeline_mode = #tpu.pipeline_mode<synchronous>, transform_indices = @transform_4, window_bounds = array<i64: 1, 128>}, {pipeline_mode = #tpu.pipeline_mode<synchronous>, transform_indices = @transform_5, window_bounds = array<i64: 1, 1>}]} {
    %get3A = arith.constant 0 : index
    %get3A_0 = arith.constant 0 : index
    %get3A_1 = arith.constant 0 : index
    %get3A_2 = vector.load %arg1[%get3A, %get3A_0, %get3A_1] : memref<2x2048x128xf32, #tpu.memory_space<vmem>>, vector<1x2048x128xf32>
    %get3A_3 = vector.shape_cast %get3A_2 : vector<1x2048x128xf32> to vector<2048x128xf32>
    %get3A_4 = arith.constant 1 : index
    %get3A_5 = arith.constant 0 : index
    %get3A_6 = arith.constant 0 : index
    %get3A_7 = vector.load %arg1[%get3A_4, %get3A_5, %get3A_6] : memref<2x2048x128xf32, #tpu.memory_space<vmem>>, vector<1x2048x128xf32>
    %get3A_8 = vector.shape_cast %get3A_7 : vector<1x2048x128xf32> to vector<2048x128xf32>
    %add3A = arith.addf %get3A_3, %get3A_8 : vector<2048x128xf32>
    %get3A_9 = arith.constant 0 : index
    %get3A_10 = arith.constant 0 : index
    %get3A_11 = vector.load %arg2[%get3A_9, %get3A_10] : memref<2048x1xf32, #tpu.memory_space<vmem>>, vector<2048x1xf32>
    %mul3A = vector.broadcast %get3A_11 : vector<2048x1xf32> to vector<2048x128xf32>
    %mul3A_12 = arith.mulf %add3A, %mul3A : vector<2048x128xf32>
    %get3A_13 = arith.constant 0 : index
    %get3A_14 = arith.constant 0 : index
    %get3A_15 = vector.load %arg3[%get3A_13, %get3A_14] : memref<1x128xf32, #tpu.memory_space<vmem>>, vector<1x128xf32>
    %add3A_16 = vector.broadcast %get3A_15 : vector<1x128xf32> to vector<2048x128xf32>
    %add3A_17 = arith.addf %mul3A_12, %add3A_16 : vector<2048x128xf32>
    %max3A = arith.constant 0.000000e+00 : f32
    %max3A_18 = vector.broadcast %max3A : f32 to vector<2048x128xf32>
    %max3A_19 = arith.maximumf %add3A_17, %max3A_18 : vector<2048x128xf32>
    %get3A_20 = arith.constant 0 : index
    %get3A_21 = arith.constant 0 : index
    %get3A_22 = vector.load %arg4[%get3A_20, %get3A_21] : memref<128x128xf32, #tpu.memory_space<vmem>>, vector<128x128xf32>
    %reduce_sum3A = arith.constant dense<0.000000e+00> : vector<128xf32>
    %reduce_sum3A_23 = vector.multi_reduction <add>, %get3A_22, %reduce_sum3A [1] : vector<128x128xf32> to vector<128xf32>
    %broadcast_in_dim3A = vector.shape_cast %reduce_sum3A_23 : vector<128xf32> to vector<128x1xf32>
    %get3A_24 = arith.constant 0 : index
    %get3A_25 = arith.constant 0 : index
    %get3A_26 = vector.load %arg5[%get3A_24, %get3A_25] : memref<1x128xf32, #tpu.memory_space<vmem>>, vector<1x128xf32>
    %reduce_sum3A_27 = vector.shape_cast %get3A_26 : vector<1x128xf32> to vector<1x1x128xf32>
    %reduce_sum3A_28 = arith.constant dense<0.000000e+00> : vector<1xf32>
    %reduce_sum3A_29 = vector.multi_reduction <add>, %reduce_sum3A_27, %reduce_sum3A_28 [1, 2] : vector<1x1x128xf32> to vector<1xf32>
    %reduce_sum3A_30 = vector.shape_cast %reduce_sum3A_29 : vector<1xf32> to vector<1x1x1xf32>
    %reduce_sum3A_31 = vector.extract %reduce_sum3A_30[0, 0, 0] : f32 from vector<1x1x1xf32>
    %dot_general3A = arith.constant dense<0.000000e+00> : vector<2048x1xf32>
    %dot_general3A_32 = tpu.matmul %max3A_19, %broadcast_in_dim3A, %dot_general3A {dimension_numbers = #tpu.dot_dimension_numbers<[1], [0], [0], [1], [0, 0, 1, 1], [], []>, transpose_lhs_hint = false} : vector<2048x128xf32>, vector<128x1xf32>, vector<2048x1xf32> -> vector<2048x1xf32>
    %add3A_33 = vector.broadcast %reduce_sum3A_31 : f32 to vector<2048x1xf32>
    %add3A_34 = arith.addf %dot_general3A_32, %add3A_33 : vector<2048x1xf32>
    %iota3A = tpu.iota {dimensions = array<i32: 0>} : vector<2048x1xi32>
    %mul3A_35 = arith.constant 2048 : i32
    %mul3A_36 = arith.muli %arg0, %mul3A_35 : i32
    %add3A_37 = vector.broadcast %mul3A_36 : i32 to vector<2048x1xi32>
    %add3A_38 = arith.addi %iota3A, %add3A_37 : vector<2048x1xi32>
    %abs3A = math.absf %add3A_34 : vector<2048x1xf32>
    %neg3A = arith.constant 0.000000e+00 : f32
    %neg3A_39 = vector.broadcast %neg3A : f32 to vector<2048x1xf32>
    %neg3A_40 = arith.subf %neg3A_39, %abs3A : vector<2048x1xf32>
    %exp3A = math.exp %neg3A_40 : vector<2048x1xf32>
    %log1p3A = math.log1p %exp3A : vector<2048x1xf32>
    %mul3A_41 = arith.constant 2.000000e+00 : f32
    %mul3A_42 = vector.broadcast %mul3A_41 : f32 to vector<2048x1xf32>
    %mul3A_43 = arith.mulf %mul3A_42, %log1p3A : vector<2048x1xf32>
    %add3A_44 = arith.addf %abs3A, %mul3A_43 : vector<2048x1xf32>
    %lt3A = arith.constant 10000 : i32
    %lt3A_45 = vector.broadcast %lt3A : i32 to vector<2048x1xi32>
    %lt3A_46 = arith.cmpi slt, %add3A_38, %lt3A_45 : vector<2048x1xi32>
    %jit3A = arith.constant 0.000000e+00 : f32
    %broadcast_in_dim3A_47 = vector.broadcast %jit3A : f32 to vector<2048x1xf32>
    %select_n3A = arith.select %lt3A_46, %add3A_44, %broadcast_in_dim3A_47 : vector<2048x1xi1>, vector<2048x1xf32>
    %reduce_sum3A_48 = vector.shape_cast %select_n3A : vector<2048x1xf32> to vector<1x2048x1xf32>
    %reduce_sum3A_49 = arith.constant dense<0.000000e+00> : vector<1xf32>
    %reduce_sum3A_50 = vector.multi_reduction <add>, %reduce_sum3A_48, %reduce_sum3A_49 [1, 2] : vector<1x2048x1xf32> to vector<1xf32>
    %reduce_sum3A_51 = vector.shape_cast %reduce_sum3A_50 : vector<1xf32> to vector<1x1x1xf32>
    %reduce_sum3A_52 = vector.extract %reduce_sum3A_51[0, 0, 0] : f32 from vector<1x1x1xf32>
    %div3A = arith.constant 2.000000e+04 : f32
    %div3A_53 = arith.divf %reduce_sum3A_52, %div3A : f32
    %reshape3A = vector.broadcast %div3A_53 : f32 to vector<1x1xf32>
    %eq3A = arith.constant 0 : i32
    %eq3A_54 = arith.cmpi eq, %arg0, %eq3A : i32
    %convert_element_type3A = arith.extui %eq3A_54 : i1 to i32
    %cond3A = arith.constant 0 : i32
    %cond3A_55 = arith.cmpi ne, %convert_element_type3A, %cond3A : i32
    scf.if %cond3A_55 {
      %broadcast_in_dim3A_62 = arith.constant 0.000000e+00 : f32
      %broadcast_in_dim3A_63 = vector.broadcast %broadcast_in_dim3A_62 : f32 to vector<1x1xf32>
      %swap3A_64 = arith.constant 0 : index
      %swap3A_65 = arith.constant 0 : index
      %swap3A_66 = vector.load %arg6[%swap3A_64, %swap3A_65] : memref<1x1xf32, #tpu.memory_space<vmem>>, vector<1x1xf32>
      tpu.vector_store %arg6[%swap3A_64, %swap3A_65], %broadcast_in_dim3A_63 {strides = array<i32>} : memref<1x1xf32, #tpu.memory_space<vmem>>, vector<1x1xf32>,
    } else {
    }
    %get3A_56 = arith.constant 0 : index
    %get3A_57 = arith.constant 0 : index
    %get3A_58 = vector.load %arg6[%get3A_56, %get3A_57] : memref<1x1xf32, #tpu.memory_space<vmem>>, vector<1x1xf32>
    %add3A_59 = arith.addf %get3A_58, %reshape3A : vector<1x1xf32>
    %swap3A = arith.constant 0 : index
    %swap3A_60 = arith.constant 0 : index
    %swap3A_61 = vector.load %arg6[%swap3A, %swap3A_60] : memref<1x1xf32, #tpu.memory_space<vmem>>, vector<1x1xf32>
    tpu.vector_store %arg6[%swap3A, %swap3A_60], %add3A_59 {strides = array<i32>} : memref<1x1xf32, #tpu.memory_space<vmem>>, vector<1x1xf32>,
    return
  }
  func.func @transform_0(%arg0: i32) -> (i32, i32, i32) {
    %c0_i32 = arith.constant 0 : i32
    %c0_i32_0 = arith.constant 0 : i32
    %c0_i32_1 = arith.constant 0 : i32
    return %c0_i32, %arg0, %c0_i32_0 : i32, i32, i32
  }
  func.func @transform_1(%arg0: i32) -> (i32, i32) {
    %c0_i32 = arith.constant 0 : i32
    %c0_i32_0 = arith.constant 0 : i32
    return %arg0, %c0_i32 : i32, i32
  }
  func.func @transform_2(%arg0: i32) -> (i32, i32) {
    %c0_i32 = arith.constant 0 : i32
    %c0_i32_0 = arith.constant 0 : i32
    %c0_i32_1 = arith.constant 0 : i32
    return %c0_i32, %c0_i32_0 : i32, i32
  }
  func.func @transform_3(%arg0: i32) -> (i32, i32) {
    %c0_i32 = arith.constant 0 : i32
    %c0_i32_0 = arith.constant 0 : i32
    %c0_i32_1 = arith.constant 0 : i32
    return %c0_i32, %c0_i32_0 : i32, i32
  }
  func.func @transform_4(%arg0: i32) -> (i32, i32) {
    %c0_i32 = arith.constant 0 : i32
    %c0_i32_0 = arith.constant 0 : i32
    %c0_i32_1 = arith.constant 0 : i32
    return %c0_i32, %c0_i32_0 : i32, i32
  }
  func.func @transform_5(%arg0: i32) -> (i32, i32) {
    %c0_i32 = arith.constant 0 : i32
    %c0_i32_0 = arith.constant 0 : i32
    %c0_i32_1 = arith.constant 0 : i32
    return %c0_i32, %c0_i32_0 : i32, i32
  }
}

</mosaic_0001>

<sc_bundles>
// kernel: kernel.10.cloned.1.call-start
scs
__scs_entry_jumppad:
0x0: {  	(pc) =	sbr.rel $0x88, $3  }
0x1: {  	(tag) =	ssettag $0x0;
	lr =	simm.s32 $0x1  }
0x2: {  	[smem:$0x3F9B] =	sst lr;
	_ =	strace $0xD0000000  }
0x3: {  	_ = 	snop  }
0x4: {  	_ = 	snop  }
0x5: {  	_ = 	snop  }
0x6: {  	_ = 	snop  }
0x7: {  	_ = 	snop  }
__scs_overlays_trampoline_lowered:
0x8: {  	[smem:$0x3FAA] =	sst s0  }
0x9: {  	[smem:$0x3FAB] =	sst s1  }
0xa: {  	[smem:$0x3FAC] =	sst s2  }
0xb: {  	[smem:$0x3FAD] =	sst s3  }
0xc: {  	[smem:$0x3FAE] =	sst s4  }
0xd: {  	[smem:$0x3FAF] =	sst s5  }
0xe: {  	[smem:$0x3FB0] =	sst s6  }
0xf: {  	[smem:$0x3FB1] =	sst s7  }
0x10: {  	[smem:$0x3FB2] =	sst s8  }
0x11: {  	[smem:$0x3FB3] =	sst s9;
	s0 =	simm.s32 @!p0 $0x0  }
0x12: {  	s1 =	sld [smem:$0x3F99];
	s0 =	simm.s32 @p0 $0x1  }
0x13: {  	[smem:$0x3FB4] =	sst s0;
	s0 =	simm.s32 @!p1 $0x0  }
0x14: {  	s2 =	sld [smem:$0x3F98];
	s0 =	simm.s32 @p1 $0x1  }
0x15: {  	[smem:$0x3FB5] =	sst s0;
	s0 =	simm.s32 @!p2 $0x0  }
0x16: {  	s3 =	sld [smem:$0x3FDB];
	s0 =	simm.s32 @p2 $0x1  }
0x17: {  	s4 =	simm.s32 $0x1BF5;
	[smem:$0x3FB7] =	sst s0  }
0x18: {  	s0 =	sld [smem:$0x3F9A];
	_ =	swait.ge [sflag:s4], $0x0  }
0x19: {  	s7 =	sld [smem:$0x3F9B]  }
0x1a: {  	s8 =	sadd.s32 $0xFFFFE003, lr  }
0x1b: {  	s9 =	sadd.s32 $0xFFFFFEF7, lr;
	s5 =	simm.s32 $0xFFFFFFFF;
	p2 =	slt.u32 s8, $0xFFFFF086  }
0x1c: {  	p1 =	slt.u32 s9, $0xF7A;
	s5 =	simm.s32 @!p2 $0x0  }
0x1d: {  	s5 =	simm.s32 @p1 $0x1;
	p0 =	seq.s32 s7, s2  }
0x1e: {  	s7 =	smul.u32 @!p0 $0xF7A, s2;
	p2 =	seq.s32 @!p0 s5, $0x0  }
0x1f: {  	s9 =	smul.u32 $0xF7A, s1;
	s8 =	simm.s32 @!p0 $0x1BF5;
	p2 =	por !p2, p0  }
0x20: {  	[sflag:s8] =	ssyncset.s32 @!p0 $0xFFFFF086;
	s6 =	sadd.s32 @!p0 s3, s7;
	s7 =	simm.s32 @!p0 $0x108  }
0x21: {  	s3 =	sadd.s32 s3, s9;
	s6 =	sadd.s32 @!p0 $0x88, s6;
	s7 =	simm.s32 @p2 $0x1082  }
0x22: {  	[simem:s7], [sflag:s8] =	dma.local @!p0 [hbm:s6], $0xF7A  }
0x23: {  	s9 =	sor.u32 $0xD0000000, s2;
	s6 =	simm.s32 $0x108;
	_ =	swait.ge @!p0 [sflag:s8], $0x0  }
0x24: {  	s3 =	sadd.s32 $0x88, s3;
	s6 =	simm.s32 @!p1 $0x1082;
	[sflag:s4] =	ssyncset.s32 $0xFFFFF086  }
0x25: {  	[simem:s6], [sflag:s4] =	dma.local [hbm:s3], $0xF7A  }
0x26: {  	[smem:$0x3F9B] =	sst s1;
	(tag) =	ssettag s2;
	_ =	strace s9  }
0x27: {  	s1 =	sld [smem:$0x3FAB]  }
0x28: {  	s2 =	sld [smem:$0x3FAC]  }
0x29: {  	s4 =	sld [smem:$0x3FAE]  }
0x2a: {  	p0 =	seq.s32 s5, $0x0;
	s5 =	sld [smem:$0x3FAF]  }
0x2b: {  	s6 =	sld [smem:$0x3FB0]  }
0x2c: {  	s7 =	sld [smem:$0x3FB1]  }
0x2d: {  	s3 =	simm.s32 $0x108;
	s8 =	sld [smem:$0x3FB2]  }
0x2e: {  	s3 =	simm.s32 @!p0 $0x1082;
	s9 =	sld [smem:$0x3FB3]  }
0x2f: {  	lr =	sadd.s32 s0, s3;
	s0 =	sld [smem:$0x3FAA]  }
0x30: {  	s3 =	sld [smem:$0x3FAD]  }
0x31: {  	[smem:$0x3FB6] =	sst s10  }
0x32: {  	s10 =	sld [smem:$0x3FB4];
	_ =	sdelay $0x3  }
0x33: {  	p0 =	seq.s32 s10, $0x1;
	s10 =	sld [smem:$0x3FB6];
	_ =	sdelay $0x3  }
0x34: {  	[smem:$0x3FB6] =	sst s10  }
0x35: {  	s10 =	sld [smem:$0x3FB5];
	_ =	sdelay $0x3  }
0x36: {  	p1 =	seq.s32 s10, $0x1;
	s10 =	sld [smem:$0x3FB6];
	_ =	sdelay $0x3  }
0x37: {  	[smem:$0x3FB6] =	sst s10  }
0x38: {  	s10 =	sld [smem:$0x3FB7]  }
0x39: {  	_ = 	snop;
	(pc) =	sbr.ind lr, $3  }
0x3a: {  	_ = 	snop  }
0x3b: {  	_ = 	snop  }
0x3c: {  	p2 =	seq.s32 s10, $0x1;
	s10 =	sld [smem:$0x3FB6]  }
0x3d: {  	_ =	shalt  }
0x3e: {  	_ =	shalt  }
0x3f: {  	_ =	shalt  }
0x40: {  	_ =	shalt  }
0x41: {  	_ =	shalt  }
0x42: {  	_ =	shalt  }
0x43: {  	_ =	shalt  }
0x44: {  	_ =	shalt  }
0x45: {  	_ =	shalt  }
0x46: {  	_ =	shalt  }
0x47: {  	_ =	shalt  }
0x48: {  	_ =	shalt  }
0x49: {  	_ =	shalt  }
0x4a: {  	_ =	shalt  }
0x4b: {  	_ =	shalt  }
0x4c: {  	_ =	shalt  }
0x4d: {  	_ =	shalt  }
0x4e: {  	_ =	shalt  }
0x4f: {  	_ =	shalt  }
0x50: {  	_ =	shalt  }
0x51: {  	_ =	shalt  }
0x52: {  	_ =	shalt  }
0x53: {  	_ =	shalt  }
0x54: {  	_ =	shalt  }
0x55: {  	_ =	shalt  }
0x56: {  	_ =	shalt  }
0x57: {  	_ =	shalt  }
0x58: {  	_ =	shalt  }
0x59: {  	_ =	shalt  }
0x5a: {  	_ =	shalt  }
0x5b: {  	_ =	shalt  }
0x5c: {  	_ =	shalt  }
0x5d: {  	_ =	shalt  }
0x5e: {  	_ =	shalt  }
0x5f: {  	_ =	shalt  }
0x60: {  	_ =	shalt  }
0x61: {  	_ =	shalt  }
0x62: {  	_ =	shalt  }
0x63: {  	_ =	shalt  }
0x64: {  	_ =	shalt  }
0x65: {  	_ =	shalt  }
0x66: {  	_ =	shalt  }
0x67: {  	_ =	shalt  }
0x68: {  	_ =	shalt  }
0x69: {  	_ =	shalt  }
0x6a: {  	_ =	shalt  }
0x6b: {  	_ =	shalt  }
0x6c: {  	_ =	shalt  }
0x6d: {  	_ =	shalt  }
0x6e: {  	_ =	shalt  }
0x6f: {  	_ =	shalt  }
0x70: {  	_ =	shalt  }
0x71: {  	_ =	shalt  }
0x72: {  	_ =	shalt  }
0x73: {  	_ =	shalt  }
0x74: {  	_ =	shalt  }
0x75: {  	_ =	shalt  }
0x76: {  	_ =	shalt  }
0x77: {  	_ =	shalt  }
0x78: {  	_ =	shalt  }
0x79: {  	_ =	shalt  }
0x7a: {  	_ =	shalt  }
0x7b: {  	_ =	shalt  }
0x7c: {  	_ =	shalt  }
0x7d: {  	_ =	shalt  }
0x7e: {  	_ =	shalt  }
0x7f: {  	_ =	shalt  }
0x80: {  	_ =	shalt  }
0x81: {  	_ =	shalt  }
0x82: {  	_ =	shalt  }
0x83: {  	_ =	shalt  }
0x84: {  	_ =	shalt  }
0x85: {  	_ =	shalt  }
0x86: {  	_ =	shalt  }
0x87: {  	_ =	shalt  }
.Lfunc_end0:
.L_simem_size_0:
called_computation.1_lowered:
.L_overlay_start_0:
0x88: {  	s2 =	sld [smem:$0x3FD9]  }
0x89: {  	s3 =	sld [smem:$0x3FFE];
	_ =	sdelay $0x1  }
0x8a: {  	s1 =	srdreg.scid  }
0x8b: {  	s0 =	sand.u32 $0x1, s1  }
0x8c: {  	s16 =	sshll.u32 s0, $0xA;
	s2 =	sadd.s32 s3, s2  }
0x8d: {  	s2 =	sadd.s32 s2, s16  }
0x8e: {  	[smem:$0x3FC2] =	sst s2  }
0x8f: {  	_ = 	snop  }
0x90: {  	(tm) =	ssettm $0x1  }
0x91: {  	s17 =	sld [smem:$0x3FFB];
	_ =	sdelay $0x3  }
0x92: {  	_ =	strace s17  }
0x93: {  	s2 =	sld [smem:$0x3FFC];
	_ =	sdelay $0x3  }
0x94: {  	_ =	strace s2  }
0x95: {  	s2 =	sld [smem:$0x3FFD];
	_ =	sdelay $0x3  }
0x96: {  	_ =	strace s2  }
0x97: {  	_ =	strace $0x8FFFFFFF  }
0x98: {  	s18 =	sld [smem:$0x3FDB];
	_ =	sdelay $0x1  }
0x99: {  	s19 =	simm.s32 $_scs_section_size  }
0x9a: {  	s4 =	simm.s32 $_size__tile_overlayer_lowered;
	s5 =	simm.s32 $_tile_overlayer_lowered  }
0x9b: {  	s22 =	simm.s32 $0x1BFF;
	s21 =	sshll.u32 s5, $0x1;
	s2 =	sadd.s32 s19, s18  }
0x9c: {  	s6 =	simm.s32 $0x0;
	s20 =	sshll.u32 s4, $0x1;
	s4 =	sadd.s32 s21, s2  }
0x9d: {  	[timem:s6], [sflag:s22] =	dma.local [hbm:s4], s20  }
0x9e: {  	_ =	swait.ge [sflag:s22], s20  }
0x9f: {  	s3 =	ssub.s32 $0x0, s20;
	[sflag:s22] =	ssyncset.done $0x0  }
0xa0: {  	[sflag:s22] =	ssyncadd.s32 s3;
	_ =	sdelay $0x1  }
0xa1: {  	s23 =	simm.s32 $0x1B8B  }
0xa2: {  	_ =	swait.ge [sflag:s23], $0x1  }
0xa3: {  	[sflag:s23] =	ssyncset.done $0x0  }
0xa4: {  	s25 =	simm.s32 $0x1B8E;
	s24 =	sld [smem:$0x3FFE];
	[sflag:s23] =	ssyncadd.s32 $0xFFFFFFFF  }
0xa5: {  	s26 =	simm.s32 $execute0_lowered;
	[smem:$0x3FD2] =	sst s25  }
0xa6: {  	s4 =	sshll.u32 s26, $0x1;
	_ =	strace $0x80000049;
	[dreg:$0x1] =	wrdreg $0xFFFFFFFF  }
0xa7: {  	s28 =	simm.s32 $_size_execute0_lowered;
	s2 =	sadd.s32 s2, s4;
	[dreg:$0x0] =	wrdreg $0x0  }
0xa8: {  	s4 =	sshll.u32 s28, $0x1;
	[dreg:$0x2] =	wrdreg s2  }
0xa9: {  	[dreg:$0x3] =	wrdreg s4  }
0xaa: {  	[dreg:$0x4] =	wrdreg $0xC0  }
0xab: {  	_ =	task [dreg:s6], $0x5FFFF  }
0xac: {  	[dreg:$0x1] =	wrdreg $0xFFFFFFFF  }
0xad: {  	[dreg:$0x0] =	wrdreg $0x60  }
0xae: {  	[dreg:$0x2] =	wrdreg s24  }
0xaf: {  	[dreg:$0x3] =	wrdreg $0xE0000  }
0xb0: {  	[dreg:$0x4] =	wrdreg $0x9  }
0xb1: {  	_ =	task.clear_ibuf [dreg:s6], $0x5FFFF;
	_ =	strace $0x90000049  }
0xb2: {  	s29 =	simm.s32 $0x9;
	_ =	strace $0x8000004B  }
0xb3: {  	_ =	swait.ge [sflag:s29], $0x1  }
0xb4: {  	[sflag:s29] =	ssyncadd.s32 $0xFFFFFFFF  }
0xb5: {  	_ =	strace $0x9000004B  }
0xb6: {  	_ =	sfence  }
0xb7: {  	s30 =	sld [smem:$0x0];
	_ =	sdelay $0x2  }
0xb8: {  	s31 =	sshll.u32 s1, $0xD;
	s1 =	sshrl.u32 s1, $0x2  }
0xb9: {  	s3 =	sand.u32 $0x4000, s31;
	s1 =	sadd.s32 s1, s30  }
0xba: {  	s0 =	sor.u32 s3, s0;
	s1 =	sshll.u32 s1, $0x11  }
0xbb: {  	s0 =	sor.u32 s1, s0  }
0xbc: {  	s0 =	sadd.s32 $0x8F2B, s0  }
0xbd: {  	[sflag:s0] =	ssyncadd.remote.s32 $0x1  }
0xbe: {  	_ =	sfence.sel $0xFFFF  }
0xbf: {  	[dreg:$0x0] =	wrdreg $0xFFFFFFFF;
	(pc) =	sbr.abs _section_cstart, $3  }
0xc0: {  	[dreg:$0x1] =	wrdreg $0xFFFFFFFF  }
0xc1: {  	_ =	task.clear_ibuf [dreg:s6], $0x2FFFF;
	_ =	strace $0x9FFFFFFF  }
0xc2: {  	(tm) =	ssettm $0x7FFFFFFF  }
0xc3: {  	_ =	shalt  }
tec
execute0_lowered:
.L_overlay_start_1:
0x0: {  	(tag) =	ssettag $0x1  }
0x1: {  	s6 =	rddreg [dreg:$0x0]  }
0x2: {  	s2 =	rddreg [dreg:$0x1];
	s1 =	srdreg.scid  }
0x3: {  	s0 =	rddreg [dreg:$0x2];
	s3 =	simm.s32 $0x0;
	s7 =	sand.u32 $0x1, s1  }
0x4: {  	s16 =	simm.s32 $0x2;
	s17 =	simm.s32 $0x80;
	s4 =	smul.u32 $0x30000, s7  }
0x5: {  	s18 =	simm.s32 $0x400;
	s1 =	stileid.u32;
	s5 =	smul.u32 $0x2F800, s7  }
0x6: {  	s19 =	simm.s32 $0x3000;
	s20 =	simm.s32 $0xA000;
	s9 =	smul.u32 $0x3000, s1  }
0x7: {  	s21 =	simm.s32 $0x6000;
	s22 =	simm.s32 $0x1;
	s25 =	smul.u32 $0x140000, s7  }
0x8: {  	s23 =	simm.s32 $0x5F80;
	[smem:$0x7FF] =	sst s3;
	s26 =	smul.u32 $0xA000, s1  }
0x9: {  	s8 =	sshrl.u32 s1, $0x3;
	_ =	strace $0x8000004A;
	s30 =	smul.u32 $0x29000, s1  }
0xa: {  	s10 =	sshll.u32 s1, $0x7;
	s28 =	ssub.s32 $0x2, s7;
	s12 =	smul.u32 $0x28000, s1  }
0xb: {  	p0 =	seq.s32 s7, $0x0;
	s7 =	simm.s32 $0x5F;
	s8 =	smul.u32 $0x17C00, s8  }
0xc: {  	s24 =	sand.u32 $0x380, s10;
	s29 =	sshrl.u32 s28, $0x1;
	s7 =	simm.s32 @!p0 $0x3E  }
0xd: {  	s9 =	sadd.s32 s9, s4;
	s4 =	sadd.s32 $0x27C00, s6;
	s15 =	ssub.s32 s28, s29  }
0xe: {  	s31 =	sshrl.u32 s30, $0x2;
	s13 =	sshrl.u32 s12, $0x2;
	s5 =	sadd.s32 s5, s8  }
0xf: {  	s9 =	sshrl.u32 s9, $0x3;
	s8 =	sadd.s32 s26, s25;
	s13 =	sadd.s32 s13, s2  }
0x10: {  	s15 =	smax.u32 s15, $0x1;
	s25 =	simm.s32 $0x0;
	s5 =	sor.u32 s24, s5  }
0x11: {  	s9 =	sadd.s32 s9, s6;
	s8 =	sshrl.u32 s8, $0x3;
	s24 =	sshll.u32 s1, $0x6  }
0x12: {  	s5 =	sshrl.u32 s5, $0x3;
	s14 =	sadd.s32 s8, s6;
	s24 =	sor.u32 $0x1C02, s24  }
0x13: {  	s11 =	sadd.s32 s5, s6;
	s5 =	sadd.s32 $0xA00, s6;
	s6 =	sadd.s32 $0xFE00, s9  }
0x14: {  	s9 =	sadd.s32 s31, s2;
	s12 =	sadd.s32 $0x4FC00, s14;
	s14 =	sadd.s32 $0x63C00, s14  }
0x15: {  	s8 =	sadd.s32 $0x1BE00, s11;
	s10 =	sadd.s32 $0x4000, s9;
	s11 =	sadd.s32 $0x8000, s9  }
.LBB2_1:
0x16: {  	[tilespmem:s3], [sflag:$0x2] =	stream.linear.gather [hbm4b:s6+s3], $0x2F80, $0x38;
	[tilespmem:$0x18400] =	vst v63  }
0x17: {  	_ =	swait.ge [sflag:s16], $0x2F80  }
0x18: {  	[sflag:s16] =	ssyncset.done $0x0  }
0x19: {  	[sflag:s16] =	ssyncadd.s32 $0xFFFFD080  }
0x1a: {  	[tilespmem:s19], [sflag:$0x2] =	stream.strided.gather [hbm4b:s8+s17], $0x2F80, s18, s17, $0x38;
	[tilespmem:$0x18400] =	vst v63  }
0x1b: {  	_ =	swait.ge [sflag:s16], $0x2F80  }
0x1c: {  	[sflag:s16] =	ssyncset.done $0x0  }
0x1d: {  	[sflag:s16] =	ssyncadd.s32 $0xFFFFD080  }
0x1e: {  	[tilespmem:s20], [sflag:$0x2] =	stream.linear.gather [hbm4b:s5+s3], $0x4000, $0x38;
	[tilespmem:$0x18400] =	vst v63  }
0x1f: {  	_ =	swait.ge [sflag:s16], $0x4000  }
0x20: {  	[sflag:s16] =	ssyncset.done $0x0  }
0x21: {  	[sflag:s16] =	ssyncadd.s32 $0xFFFFC000  }
0x22: {  	[spmem:s9] =	stream.linear.scatter [tilespmem:s20], [sflag:$0x2], $0x4000, $0x38;
	[tilespmem:$0x18400] =	vst v63  }
0x23: {  	_ =	swait.ge [sflag:s16], $0x4000  }
0x24: {  	[sflag:s16] =	ssyncset.done $0x0  }
0x25: {  	[sflag:s16] =	ssyncadd.s32 $0xFFFFC000  }
0x26: {  	[spmem:s10] =	stream.linear.scatter [tilespmem:s20], [sflag:$0x2], $0x4000, $0x38;
	[tilespmem:$0x18400] =	vst v63  }
0x27: {  	_ =	swait.ge [sflag:s16], $0x4000  }
0x28: {  	[sflag:s16] =	ssyncset.done $0x0  }
0x29: {  	[sflag:s16] =	ssyncadd.s32 $0xFFFFC000  }
0x2a: {  	[spmem:s11] =	stream.linear.scatter [tilespmem:s20], [sflag:$0x2], $0x2400, $0x38;
	[tilespmem:$0x18400] =	vst v63  }
0x2b: {  	_ =	swait.ge [sflag:s16], $0x2400  }
0x2c: {  	[sflag:s16] =	ssyncset.done $0x0  }
0x2d: {  	[sflag:s16] =	ssyncadd.s32 $0xFFFFDC00  }
0x2e: {  	s26 =	simm.s32 $0x3040;
	[bflag:$0x0] =	sbarrier.arrive $0xFFFF  }
0x2f: {  	v0 =	vld [tilespmem:s26+$0xFFFFFFC0];
	_ =	sdelay $0x4  }
0x30: {  	v0 =	vmin.u32 v0, $0x1400  }
0x31: {  	[tilespmem:$0x5F80] =	vst v0  }
0x32: {  	v0 =	vld [tilespmem:s26+$0xFFFFFFD0];
	_ =	sdelay $0x4  }
0x33: {  	v0 =	vmin.u32 v0, $0x1400  }
0x34: {  	[tilespmem:$0x5F90] =	vst v0  }
0x35: {  	v0 =	vld [tilespmem:s26+$0xFFFFFFE0];
	_ =	sdelay $0x4  }
0x36: {  	v0 =	vmin.u32 v0, $0x1400  }
0x37: {  	[tilespmem:$0x5FA0] =	vst v0  }
0x38: {  	v0 =	vld [tilespmem:s26+$0xFFFFFFF0];
	_ =	sdelay $0x4  }
0x39: {  	v0 =	vmin.u32 v0, $0x1400  }
0x3a: {  	[tilespmem:$0x5FB0] =	vst v0  }
0x3b: {  	v0 =	vld [tilespmem:s26+$0x0];
	_ =	sdelay $0x4  }
0x3c: {  	v0 =	vmin.u32 v0, $0x1400  }
0x3d: {  	[tilespmem:$0x5FC0] =	vst v0  }
0x3e: {  	v0 =	vld [tilespmem:s26+$0x10];
	_ =	sdelay $0x4  }
0x3f: {  	v0 =	vmin.u32 v0, $0x1400  }
0x40: {  	[tilespmem:$0x5FD0] =	vst v0  }
0x41: {  	v0 =	vld [tilespmem:s26+$0x20];
	_ =	sdelay $0x4  }
0x42: {  	v0 =	vmin.u32 v0, $0x1400  }
0x43: {  	[tilespmem:$0x5FE0] =	vst v0  }
0x44: {  	v0 =	vld [tilespmem:s26+$0x30];
	_ =	sdelay $0x4  }
0x45: {  	v0 =	vmin.u32 v0, $0x1400  }
0x46: {  	[tilespmem:$0x5FF0] =	vst v0  }
0x47: {  	[tilespmem:s21], [sflag:$0x1] =	stream.indirect.gather [hbm4b:s4+s17], $0x80, s3, s17, $0xb8;
	[tilespmem:$0x18400] =	vst v63  }
0x48: {  	p0 =	sne.s32 s7, $0x1;
	_ =	swait.ge [sflag:s22], $0x4000  }
.Ltmp0:
0x49: {  	[sflag:s22] =	ssyncset.done $0x0;
	(pc) =	sbr.rel @!p0 .LBB2_3-.Ltmp0, $4  }
0x4a: {  	[sflag:s22] =	ssyncadd.s32 $0xFFFFC000  }
0x4b: {  	[spmem:s2] =	stream.indirect.scatter.add.f32 [tilespmem:s21], [sflag:$0x2], $0x80, s23, s17, $0xb8;
	[tilespmem:$0x18400] =	vst v63  }
0x4c: {  	s28 =	sadd.s32 $0xFFFFFFFF, s7;
	_ =	swait.ge [sflag:s16], $0x4000  }
0x4d: {  	s29 =	simm.s32 $0x0;
	s30 =	simm.s32 $0x3040;
	[sflag:s16] =	ssyncset.done $0x0  }
.LBB2_2:
0x4e: {  	[sflag:s16] =	ssyncadd.s32 $0xFFFFC000;
	s29 =	sadd.s32 $0x80, s29;
	s30 =	sadd.s32 $0x80, s30  }
0x4f: {  	p1 =	sne.s32 s28, $0x1;
	s28 =	sadd.s32 $0xFFFFFFFF, s28;
	v0 =	vld [tilespmem:s30+$0xFFFFFFC0];
	_ =	sdelay $0x4  }
0x50: {  	v0 =	vmin.u32 v0, $0x1400  }
0x51: {  	[tilespmem:$0x5F80] =	vst v0  }
0x52: {  	v0 =	vld [tilespmem:s30+$0xFFFFFFD0];
	_ =	sdelay $0x4  }
0x53: {  	v0 =	vmin.u32 v0, $0x1400  }
0x54: {  	[tilespmem:$0x5F90] =	vst v0  }
0x55: {  	v0 =	vld [tilespmem:s30+$0xFFFFFFE0];
	_ =	sdelay $0x4  }
0x56: {  	v0 =	vmin.u32 v0, $0x1400  }
0x57: {  	[tilespmem:$0x5FA0] =	vst v0  }
0x58: {  	v0 =	vld [tilespmem:s30+$0xFFFFFFF0];
	_ =	sdelay $0x4  }
0x59: {  	v0 =	vmin.u32 v0, $0x1400  }
0x5a: {  	[tilespmem:$0x5FB0] =	vst v0  }
0x5b: {  	v0 =	vld [tilespmem:s30+$0x0];
	_ =	sdelay $0x4  }
0x5c: {  	v0 =	vmin.u32 v0, $0x1400  }
0x5d: {  	[tilespmem:$0x5FC0] =	vst v0  }
0x5e: {  	v0 =	vld [tilespmem:s30+$0x10];
	_ =	sdelay $0x4  }
0x5f: {  	v0 =	vmin.u32 v0, $0x1400  }
0x60: {  	[tilespmem:$0x5FD0] =	vst v0  }
0x61: {  	v0 =	vld [tilespmem:s30+$0x20];
	_ =	sdelay $0x4  }
0x62: {  	v0 =	vmin.u32 v0, $0x1400  }
0x63: {  	[tilespmem:$0x5FE0] =	vst v0  }
0x64: {  	v0 =	vld [tilespmem:s30+$0x30];
	_ =	sdelay $0x4  }
0x65: {  	v0 =	vmin.u32 v0, $0x1400  }
0x66: {  	[tilespmem:$0x5FF0] =	vst v0  }
0x67: {  	[tilespmem:s21], [sflag:$0x1] =	stream.indirect.gather [hbm4b:s4+s17], $0x80, s29, s17, $0xb8;
	[tilespmem:$0x18400] =	vst v63  }
0x68: {  	_ =	swait.ge [sflag:s22], $0x4000  }
.Ltmp1:
0x69: {  	[sflag:s22] =	ssyncset.done $0x0;
	(pc) =	sbr.rel @p1 .LBB2_2-.Ltmp1, $4  }
0x6a: {  	[sflag:s22] =	ssyncadd.s32 $0xFFFFC000  }
0x6b: {  	[spmem:s2] =	stream.indirect.scatter.add.f32 [tilespmem:s21], [sflag:$0x2], $0x80, s23, s17, $0xb8;
	[tilespmem:$0x18400] =	vst v63  }
0x6c: {  	_ =	swait.ge [sflag:s16], $0x4000  }
0x6d: {  	[sflag:s16] =	ssyncset.done $0x0  }
.LBB2_3:
0x6e: {  	[sflag:s16] =	ssyncadd.s32 $0xFFFFC000  }
0x6f: {  	s28 =	sshrl.u32 s13, $0x3;
	[bflag:$0x0] =	sbarrier.arrive $0xFFFF  }
0x70: {  	[hbm:s12], [sflag:s24] =	dma.local [spmem:s28], $0x1400  }
0x71: {  	_ =	swait.ge [sflag:s16], $0x1400  }
0x72: {  	[sflag:s16] =	ssyncset.done $0x0  }
0x73: {  	[sflag:s16] =	ssyncadd.s32 $0xFFFFEC00  }
0x74: {  	[bflag:$0x0] =	sbarrier.arrive $0xFFFF  }
0x75: {  	[spmem:s9] =	stream.linear.scatter [tilespmem:s20], [sflag:$0x2], $0x4000, $0x38;
	[tilespmem:$0x18400] =	vst v63  }
0x76: {  	_ =	swait.ge [sflag:s16], $0x4000  }
0x77: {  	[sflag:s16] =	ssyncset.done $0x0  }
0x78: {  	[sflag:s16] =	ssyncadd.s32 $0xFFFFC000  }
0x79: {  	[spmem:s10] =	stream.linear.scatter [tilespmem:s20], [sflag:$0x2], $0x4000, $0x38;
	[tilespmem:$0x18400] =	vst v63  }
0x7a: {  	_ =	swait.ge [sflag:s16], $0x4000  }
0x7b: {  	[sflag:s16] =	ssyncset.done $0x0  }
0x7c: {  	[sflag:s16] =	ssyncadd.s32 $0xFFFFC000  }
0x7d: {  	[spmem:s11] =	stream.linear.scatter [tilespmem:s20], [sflag:$0x2], $0x2400, $0x38;
	[tilespmem:$0x18400] =	vst v63  }
0x7e: {  	_ =	swait.ge [sflag:s16], $0x2400  }
0x7f: {  	[sflag:s16] =	ssyncset.done $0x0  }
0x80: {  	[sflag:s16] =	ssyncadd.s32 $0xFFFFDC00  }
0x81: {  	[bflag:$0x0] =	sbarrier.arrive $0xFFFF  }
0x82: {  	v0 =	vld [tilespmem:s26+$0xFFFFFFC0];
	_ =	sdelay $0x4  }
0x83: {  	v0 =	vadd.s32 $0xFFFFEC00, v0  }
0x84: {  	v0 =	vmin.u32 v0, $0x1400  }
0x85: {  	[tilespmem:$0x5F80] =	vst v0  }
0x86: {  	v0 =	vld [tilespmem:s26+$0xFFFFFFD0];
	_ =	sdelay $0x4  }
0x87: {  	v0 =	vadd.s32 $0xFFFFEC00, v0  }
0x88: {  	v0 =	vmin.u32 v0, $0x1400  }
0x89: {  	[tilespmem:$0x5F90] =	vst v0  }
0x8a: {  	v0 =	vld [tilespmem:s26+$0xFFFFFFE0];
	_ =	sdelay $0x4  }
0x8b: {  	v0 =	vadd.s32 $0xFFFFEC00, v0  }
0x8c: {  	v0 =	vmin.u32 v0, $0x1400  }
0x8d: {  	[tilespmem:$0x5FA0] =	vst v0  }
0x8e: {  	v0 =	vld [tilespmem:s26+$0xFFFFFFF0];
	_ =	sdelay $0x4  }
0x8f: {  	v0 =	vadd.s32 $0xFFFFEC00, v0  }
0x90: {  	v0 =	vmin.u32 v0, $0x1400  }
0x91: {  	[tilespmem:$0x5FB0] =	vst v0  }
0x92: {  	v0 =	vld [tilespmem:s26+$0x0];
	_ =	sdelay $0x4  }
0x93: {  	v0 =	vadd.s32 $0xFFFFEC00, v0  }
0x94: {  	v0 =	vmin.u32 v0, $0x1400  }
0x95: {  	[tilespmem:$0x5FC0] =	vst v0  }
0x96: {  	v0 =	vld [tilespmem:s26+$0x10];
	_ =	sdelay $0x4  }
0x97: {  	v0 =	vadd.s32 $0xFFFFEC00, v0  }
0x98: {  	v0 =	vmin.u32 v0, $0x1400  }
0x99: {  	[tilespmem:$0x5FD0] =	vst v0  }
0x9a: {  	v0 =	vld [tilespmem:s26+$0x20];
	_ =	sdelay $0x4  }
0x9b: {  	v0 =	vadd.s32 $0xFFFFEC00, v0  }
0x9c: {  	v0 =	vmin.u32 v0, $0x1400  }
0x9d: {  	[tilespmem:$0x5FE0] =	vst v0  }
0x9e: {  	v0 =	vld [tilespmem:s26+$0x30];
	_ =	sdelay $0x4  }
0x9f: {  	v0 =	vadd.s32 $0xFFFFEC00, v0  }
0xa0: {  	v0 =	vmin.u32 v0, $0x1400  }
0xa1: {  	s29 =	simm.s32 $0x0;
	[tilespmem:$0x5FF0] =	vst v0  }
0xa2: {  	[tilespmem:s21], [sflag:$0x1] =	stream.indirect.gather [hbm4b:s4+s17], $0x80, s29, s17, $0xb8;
	[tilespmem:$0x18400] =	vst v63  }
0xa3: {  	_ =	swait.ge [sflag:s22], $0x4000  }
.Ltmp2:
0xa4: {  	[sflag:s22] =	ssyncset.done $0x0;
	(pc) =	sbr.rel @!p0 .LBB2_5-.Ltmp2, $4  }
0xa5: {  	[sflag:s22] =	ssyncadd.s32 $0xFFFFC000  }
0xa6: {  	[spmem:s2] =	stream.indirect.scatter.add.f32 [tilespmem:s21], [sflag:$0x2], $0x80, s23, s17, $0xb8;
	[tilespmem:$0x18400] =	vst v63  }
0xa7: {  	_ =	swait.ge [sflag:s16], $0x4000  }
0xa8: {  	s30 =	sadd.s32 $0xFFFFFFFF, s7;
	[sflag:s16] =	ssyncset.done $0x0  }
.LBB2_4:
0xa9: {  	[sflag:s16] =	ssyncadd.s32 $0xFFFFC000;
	s29 =	sadd.s32 $0x80, s29;
	s26 =	sadd.s32 $0x80, s26  }
0xaa: {  	p0 =	sne.s32 s30, $0x1;
	s30 =	sadd.s32 $0xFFFFFFFF, s30;
	v0 =	vld [tilespmem:s26+$0xFFFFFFC0];
	_ =	sdelay $0x4  }
0xab: {  	v0 =	vadd.s32 $0xFFFFEC00, v0  }
0xac: {  	v0 =	vmin.u32 v0, $0x1400  }
0xad: {  	[tilespmem:$0x5F80] =	vst v0  }
0xae: {  	v0 =	vld [tilespmem:s26+$0xFFFFFFD0];
	_ =	sdelay $0x4  }
0xaf: {  	v0 =	vadd.s32 $0xFFFFEC00, v0  }
0xb0: {  	v0 =	vmin.u32 v0, $0x1400  }
0xb1: {  	[tilespmem:$0x5F90] =	vst v0  }
0xb2: {  	v0 =	vld [tilespmem:s26+$0xFFFFFFE0];
	_ =	sdelay $0x4  }
0xb3: {  	v0 =	vadd.s32 $0xFFFFEC00, v0  }
0xb4: {  	v0 =	vmin.u32 v0, $0x1400  }
0xb5: {  	[tilespmem:$0x5FA0] =	vst v0  }
0xb6: {  	v0 =	vld [tilespmem:s26+$0xFFFFFFF0];
	_ =	sdelay $0x4  }
0xb7: {  	v0 =	vadd.s32 $0xFFFFEC00, v0  }
0xb8: {  	v0 =	vmin.u32 v0, $0x1400  }
0xb9: {  	[tilespmem:$0x5FB0] =	vst v0  }
0xba: {  	v0 =	vld [tilespmem:s26+$0x0];
	_ =	sdelay $0x4  }
0xbb: {  	v0 =	vadd.s32 $0xFFFFEC00, v0  }
0xbc: {  	v0 =	vmin.u32 v0, $0x1400  }
0xbd: {  	[tilespmem:$0x5FC0] =	vst v0  }
0xbe: {  	v0 =	vld [tilespmem:s26+$0x10];
	_ =	sdelay $0x4  }
0xbf: {  	v0 =	vadd.s32 $0xFFFFEC00, v0  }
0xc0: {  	v0 =	vmin.u32 v0, $0x1400  }
0xc1: {  	[tilespmem:$0x5FD0] =	vst v0  }
0xc2: {  	v0 =	vld [tilespmem:s26+$0x20];
	_ =	sdelay $0x4  }
0xc3: {  	v0 =	vadd.s32 $0xFFFFEC00, v0  }
0xc4: {  	v0 =	vmin.u32 v0, $0x1400  }
0xc5: {  	[tilespmem:$0x5FE0] =	vst v0  }
0xc6: {  	v0 =	vld [tilespmem:s26+$0x30];
	_ =	sdelay $0x4  }
0xc7: {  	v0 =	vadd.s32 $0xFFFFEC00, v0  }
0xc8: {  	v0 =	vmin.u32 v0, $0x1400  }
0xc9: {  	[tilespmem:$0x5FF0] =	vst v0  }
0xca: {  	[tilespmem:s21], [sflag:$0x1] =	stream.indirect.gather [hbm4b:s4+s17], $0x80, s29, s17, $0xb8;
	[tilespmem:$0x18400] =	vst v63  }
0xcb: {  	_ =	swait.ge [sflag:s22], $0x4000  }
.Ltmp3:
0xcc: {  	[sflag:s22] =	ssyncset.done $0x0;
	(pc) =	sbr.rel @p0 .LBB2_4-.Ltmp3, $4  }
0xcd: {  	[sflag:s22] =	ssyncadd.s32 $0xFFFFC000  }
0xce: {  	[spmem:s2] =	stream.indirect.scatter.add.f32 [tilespmem:s21], [sflag:$0x2], $0x80, s23, s17, $0xb8;
	[tilespmem:$0x18400] =	vst v63  }
0xcf: {  	_ =	swait.ge [sflag:s16], $0x4000  }
0xd0: {  	[sflag:s16] =	ssyncset.done $0x0  }
.LBB2_5:
0xd1: {  	[sflag:s16] =	ssyncadd.s32 $0xFFFFC000;
	s25 =	sadd.s32 $0x1, s25  }
0xd2: {  	[bflag:$0x0] =	sbarrier.arrive $0xFFFF;
	p0 =	sne.s32 s25, s15  }
0xd3: {  	[hbm:s14], [sflag:s24] =	dma.local [spmem:s28], $0x1400  }
.Ltmp4:
0xd4: {  	_ =	swait.ge [sflag:s16], $0x1400;
	(pc) =	sbr.rel @p0 .LBB2_1-.Ltmp4, $3  }
0xd5: {  	[sflag:s16] =	ssyncset.done $0x0  }
0xd6: {  	[sflag:s16] =	ssyncadd.s32 $0xFFFFEC00  }
0xd7: {  	[bflag:$0x0] =	sbarrier.arrive $0xFFFF;
	_ =	sdelay $0x1  }
0xd8: {  	_ =	sfence.sel $0x180000  }
0xd9: {  	[bflag:$0x0] =	sbarrier.arrive $0xFFFF  }
0xda: {  	p0 =	sne.s32 s1, $0x0;
	_ =	strace $0x9000004A  }
0xdb: {  	s0 =	sadd.s32 @!p0 $0x100000, s0;
	[bflag:$0x2] =	sbarrier.arrive $0xFFFF  }
0xdc: {  	[sflag:s0] =	ssyncadd.tile.s32 @!p0 $0x1;
	_ =	shalt  }
.Lfunc_end2:
_tile_overlayer_lowered:
.L_overlay_start_2:
0xdd: {  	(tag) =	ssettag $0x2  }
0xde: {  	s0 =	rddreg [dreg:$0x0];
	s2 =	stileid.u32  }
0xdf: {  	s1 =	rddreg [dreg:$0x1];
	p0 =	sne.s32 s2, $0x0  }
0xe0: {  	s3 =	rddreg [dreg:$0x2];
	[bflag:$0x3] =	sbarrier.arrive $0xFFFF;
	s2 =	simm.s32 @!p0 $0x1C02  }
0xe1: {  	[timem:s3], [sflag:s2] =	dma.local @!p0 [hbm:s0], s1  }
0xe2: {  	s0 =	simm.s32 @!p0 $0x2  }
0xe3: {  	_ =	swait.ge @!p0 [sflag:s0], s1  }
0xe4: {  	s1 =	ssub.s32 @!p0 $0x0, s1;
	[sflag:s0] =	ssyncset.done @!p0 $0x0  }
0xe5: {  	[sflag:s0] =	ssyncadd.s32 @!p0 s1  }
0xe6: {  	[bflag:$0x3] =	sbarrier.arrive $0xFFFF  }
0xe7: {  	_ =	shalt  }

// kernel: kernel.7.cloned.1.call-start
scs
__scs_entry_jumppad:
0x0: {  	(pc) =	sbr.rel $0x88, $3  }
0x1: {  	(tag) =	ssettag $0x0;
	lr =	simm.s32 $0x1  }
0x2: {  	[smem:$0x3F9B] =	sst lr;
	_ =	strace $0xD0000000  }
0x3: {  	_ = 	snop  }
0x4: {  	_ = 	snop  }
0x5: {  	_ = 	snop  }
0x6: {  	_ = 	snop  }
0x7: {  	_ = 	snop  }
__scs_overlays_trampoline_lowered:
0x8: {  	[smem:$0x3FAA] =	sst s0  }
0x9: {  	[smem:$0x3FAB] =	sst s1  }
0xa: {  	[smem:$0x3FAC] =	sst s2  }
0xb: {  	[smem:$0x3FAD] =	sst s3  }
0xc: {  	[smem:$0x3FAE] =	sst s4  }
0xd: {  	[smem:$0x3FAF] =	sst s5  }
0xe: {  	[smem:$0x3FB0] =	sst s6  }
0xf: {  	[smem:$0x3FB1] =	sst s7  }
0x10: {  	[smem:$0x3FB2] =	sst s8  }
0x11: {  	[smem:$0x3FB3] =	sst s9;
	s0 =	simm.s32 @!p0 $0x0  }
0x12: {  	s1 =	sld [smem:$0x3F99];
	s0 =	simm.s32 @p0 $0x1  }
0x13: {  	[smem:$0x3FB4] =	sst s0;
	s0 =	simm.s32 @!p1 $0x0  }
0x14: {  	s2 =	sld [smem:$0x3F98];
	s0 =	simm.s32 @p1 $0x1  }
0x15: {  	[smem:$0x3FB5] =	sst s0;
	s0 =	simm.s32 @!p2 $0x0  }
0x16: {  	s3 =	sld [smem:$0x3FDB];
	s0 =	simm.s32 @p2 $0x1  }
0x17: {  	s4 =	simm.s32 $0x1BF5;
	[smem:$0x3FB7] =	sst s0  }
0x18: {  	s0 =	sld [smem:$0x3F9A];
	_ =	swait.ge [sflag:s4], $0x0  }
0x19: {  	s7 =	sld [smem:$0x3F9B]  }
0x1a: {  	s8 =	sadd.s32 $0xFFFFE003, lr  }
0x1b: {  	s9 =	sadd.s32 $0xFFFFFEF7, lr;
	s5 =	simm.s32 $0xFFFFFFFF;
	p2 =	slt.u32 s8, $0xFFFFF086  }
0x1c: {  	p1 =	slt.u32 s9, $0xF7A;
	s5 =	simm.s32 @!p2 $0x0  }
0x1d: {  	s5 =	simm.s32 @p1 $0x1;
	p0 =	seq.s32 s7, s2  }
0x1e: {  	s7 =	smul.u32 @!p0 $0xF7A, s2;
	p2 =	seq.s32 @!p0 s5, $0x0  }
0x1f: {  	s9 =	smul.u32 $0xF7A, s1;
	s8 =	simm.s32 @!p0 $0x1BF5;
	p2 =	por !p2, p0  }
0x20: {  	[sflag:s8] =	ssyncset.s32 @!p0 $0xFFFFF086;
	s6 =	sadd.s32 @!p0 s3, s7;
	s7 =	simm.s32 @!p0 $0x108  }
0x21: {  	s3 =	sadd.s32 s3, s9;
	s6 =	sadd.s32 @!p0 $0x88, s6;
	s7 =	simm.s32 @p2 $0x1082  }
0x22: {  	[simem:s7], [sflag:s8] =	dma.local @!p0 [hbm:s6], $0xF7A  }
0x23: {  	s9 =	sor.u32 $0xD0000000, s2;
	s6 =	simm.s32 $0x108;
	_ =	swait.ge @!p0 [sflag:s8], $0x0  }
0x24: {  	s3 =	sadd.s32 $0x88, s3;
	s6 =	simm.s32 @!p1 $0x1082;
	[sflag:s4] =	ssyncset.s32 $0xFFFFF086  }
0x25: {  	[simem:s6], [sflag:s4] =	dma.local [hbm:s3], $0xF7A  }
0x26: {  	[smem:$0x3F9B] =	sst s1;
	(tag) =	ssettag s2;
	_ =	strace s9  }
0x27: {  	s1 =	sld [smem:$0x3FAB]  }
0x28: {  	s2 =	sld [smem:$0x3FAC]  }
0x29: {  	s4 =	sld [smem:$0x3FAE]  }
0x2a: {  	p0 =	seq.s32 s5, $0x0;
	s5 =	sld [smem:$0x3FAF]  }
0x2b: {  	s6 =	sld [smem:$0x3FB0]  }
0x2c: {  	s7 =	sld [smem:$0x3FB1]  }
0x2d: {  	s3 =	simm.s32 $0x108;
	s8 =	sld [smem:$0x3FB2]  }
0x2e: {  	s3 =	simm.s32 @!p0 $0x1082;
	s9 =	sld [smem:$0x3FB3]  }
0x2f: {  	lr =	sadd.s32 s0, s3;
	s0 =	sld [smem:$0x3FAA]  }
0x30: {  	s3 =	sld [smem:$0x3FAD]  }
0x31: {  	[smem:$0x3FB6] =	sst s10  }
0x32: {  	s10 =	sld [smem:$0x3FB4];
	_ =	sdelay $0x3  }
0x33: {  	p0 =	seq.s32 s10, $0x1;
	s10 =	sld [smem:$0x3FB6];
	_ =	sdelay $0x3  }
0x34: {  	[smem:$0x3FB6] =	sst s10  }
0x35: {  	s10 =	sld [smem:$0x3FB5];
	_ =	sdelay $0x3  }
0x36: {  	p1 =	seq.s32 s10, $0x1;
	s10 =	sld [smem:$0x3FB6];
	_ =	sdelay $0x3  }
0x37: {  	[smem:$0x3FB6] =	sst s10  }
0x38: {  	s10 =	sld [smem:$0x3FB7]  }
0x39: {  	_ = 	snop;
	(pc) =	sbr.ind lr, $3  }
0x3a: {  	_ = 	snop  }
0x3b: {  	_ = 	snop  }
0x3c: {  	p2 =	seq.s32 s10, $0x1;
	s10 =	sld [smem:$0x3FB6]  }
0x3d: {  	_ =	shalt  }
0x3e: {  	_ =	shalt  }
0x3f: {  	_ =	shalt  }
0x40: {  	_ =	shalt  }
0x41: {  	_ =	shalt  }
0x42: {  	_ =	shalt  }
0x43: {  	_ =	shalt  }
0x44: {  	_ =	shalt  }
0x45: {  	_ =	shalt  }
0x46: {  	_ =	shalt  }
0x47: {  	_ =	shalt  }
0x48: {  	_ =	shalt  }
0x49: {  	_ =	shalt  }
0x4a: {  	_ =	shalt  }
0x4b: {  	_ =	shalt  }
0x4c: {  	_ =	shalt  }
0x4d: {  	_ =	shalt  }
0x4e: {  	_ =	shalt  }
0x4f: {  	_ =	shalt  }
0x50: {  	_ =	shalt  }
0x51: {  	_ =	shalt  }
0x52: {  	_ =	shalt  }
0x53: {  	_ =	shalt  }
0x54: {  	_ =	shalt  }
0x55: {  	_ =	shalt  }
0x56: {  	_ =	shalt  }
0x57: {  	_ =	shalt  }
0x58: {  	_ =	shalt  }
0x59: {  	_ =	shalt  }
0x5a: {  	_ =	shalt  }
0x5b: {  	_ =	shalt  }
0x5c: {  	_ =	shalt  }
0x5d: {  	_ =	shalt  }
0x5e: {  	_ =	shalt  }
0x5f: {  	_ =	shalt  }
0x60: {  	_ =	shalt  }
0x61: {  	_ =	shalt  }
0x62: {  	_ =	shalt  }
0x63: {  	_ =	shalt  }
0x64: {  	_ =	shalt  }
0x65: {  	_ =	shalt  }
0x66: {  	_ =	shalt  }
0x67: {  	_ =	shalt  }
0x68: {  	_ =	shalt  }
0x69: {  	_ =	shalt  }
0x6a: {  	_ =	shalt  }
0x6b: {  	_ =	shalt  }
0x6c: {  	_ =	shalt  }
0x6d: {  	_ =	shalt  }
0x6e: {  	_ =	shalt  }
0x6f: {  	_ =	shalt  }
0x70: {  	_ =	shalt  }
0x71: {  	_ =	shalt  }
0x72: {  	_ =	shalt  }
0x73: {  	_ =	shalt  }
0x74: {  	_ =	shalt  }
0x75: {  	_ =	shalt  }
0x76: {  	_ =	shalt  }
0x77: {  	_ =	shalt  }
0x78: {  	_ =	shalt  }
0x79: {  	_ =	shalt  }
0x7a: {  	_ =	shalt  }
0x7b: {  	_ =	shalt  }
0x7c: {  	_ =	shalt  }
0x7d: {  	_ =	shalt  }
0x7e: {  	_ =	shalt  }
0x7f: {  	_ =	shalt  }
0x80: {  	_ =	shalt  }
0x81: {  	_ =	shalt  }
0x82: {  	_ =	shalt  }
0x83: {  	_ =	shalt  }
0x84: {  	_ =	shalt  }
0x85: {  	_ =	shalt  }
0x86: {  	_ =	shalt  }
0x87: {  	_ =	shalt  }
.Lfunc_end0:
.L_simem_size_0:
called_computation_lowered:
.L_overlay_start_0:
0x88: {  	s0 =	sld [smem:$0x3FD9]  }
0x89: {  	s1 =	sld [smem:$0x3FFE];
	_ =	sdelay $0x3  }
0x8a: {  	s0 =	sadd.s32 s1, s0  }
0x8b: {  	[smem:$0x3FC2] =	sst s0  }
0x8c: {  	_ = 	snop  }
0x8d: {  	(tm) =	ssettm $0x1  }
0x8e: {  	s15 =	sld [smem:$0x3FFB];
	_ =	sdelay $0x3  }
0x8f: {  	_ =	strace s15  }
0x90: {  	s0 =	sld [smem:$0x3FFC];
	_ =	sdelay $0x3  }
0x91: {  	_ =	strace s0  }
0x92: {  	s0 =	sld [smem:$0x3FFD];
	_ =	sdelay $0x3  }
0x93: {  	_ =	strace s0  }
0x94: {  	_ =	strace $0x8FFFFFFF  }
0x95: {  	s16 =	sld [smem:$0x3FDB];
	_ =	sdelay $0x1  }
0x96: {  	s17 =	simm.s32 $_scs_section_size  }
0x97: {  	s2 =	simm.s32 $_size__tile_overlayer_lowered;
	s3 =	simm.s32 $_tile_overlayer_lowered  }
0x98: {  	s20 =	simm.s32 $0x1BFF;
	s19 =	sshll.u32 s3, $0x1;
	s0 =	sadd.s32 s17, s16  }
0x99: {  	s4 =	simm.s32 $0x0;
	s18 =	sshll.u32 s2, $0x1;
	s2 =	sadd.s32 s19, s0  }
0x9a: {  	[timem:s4], [sflag:s20] =	dma.local [hbm:s2], s18  }
0x9b: {  	_ =	swait.ge [sflag:s20], s18  }
0x9c: {  	s1 =	ssub.s32 $0x0, s18;
	[sflag:s20] =	ssyncset.done $0x0  }
0x9d: {  	[sflag:s20] =	ssyncadd.s32 s1;
	_ =	sdelay $0x1  }
0x9e: {  	s21 =	simm.s32 $0x1B8B  }
0x9f: {  	_ =	swait.ge [sflag:s21], $0x1  }
0xa0: {  	[sflag:s21] =	ssyncset.done $0x0  }
0xa1: {  	s23 =	simm.s32 $0x1B8E;
	s22 =	sld [smem:$0x3FFE];
	[sflag:s21] =	ssyncadd.s32 $0xFFFFFFFF  }
0xa2: {  	s24 =	simm.s32 $execute0_lowered;
	[smem:$0x3FD2] =	sst s23  }
0xa3: {  	s2 =	sshll.u32 s24, $0x1;
	_ =	strace $0x80000046;
	[dreg:$0x1] =	wrdreg $0xFFFFFFFF  }
0xa4: {  	s25 =	simm.s32 $_size_execute0_lowered;
	s0 =	sadd.s32 s0, s2;
	[dreg:$0x0] =	wrdreg $0x0  }
0xa5: {  	s2 =	sshll.u32 s25, $0x1;
	[dreg:$0x2] =	wrdreg s0  }
0xa6: {  	[dreg:$0x3] =	wrdreg s2  }
0xa7: {  	[dreg:$0x4] =	wrdreg $0xC0  }
0xa8: {  	_ =	task [dreg:s4], $0x5FFFF  }
0xa9: {  	[dreg:$0x1] =	wrdreg $0xFFFFFFFF  }
0xaa: {  	[dreg:$0x0] =	wrdreg $0x60  }
0xab: {  	[dreg:$0x2] =	wrdreg s22  }
0xac: {  	[dreg:$0x3] =	wrdreg $0x9  }
0xad: {  	_ =	task.clear_ibuf [dreg:s4], $0x4FFFF;
	_ =	strace $0x90000046  }
0xae: {  	s26 =	simm.s32 $0x9;
	_ =	strace $0x80000048  }
0xaf: {  	_ =	swait.ge [sflag:s26], $0x1  }
0xb0: {  	[sflag:s26] =	ssyncadd.s32 $0xFFFFFFFF  }
0xb1: {  	_ =	strace $0x90000048  }
0xb2: {  	_ =	sfence  }
0xb3: {  	s28 =	sld [smem:$0x0];
	_ =	sdelay $0x1  }
0xb4: {  	s29 =	srdreg.scid  }
0xb5: {  	s30 =	sshll.u32 s29, $0xD;
	s31 =	sshrl.u32 s29, $0x2  }
0xb6: {  	s1 =	sand.u32 $0x1, s29;
	s2 =	sand.u32 $0x4000, s30;
	s0 =	sadd.s32 s31, s28  }
0xb7: {  	s1 =	sor.u32 s2, s1;
	s0 =	sshll.u32 s0, $0x11  }
0xb8: {  	s0 =	sor.u32 s0, s1  }
0xb9: {  	s0 =	sadd.s32 $0x8F2B, s0  }
0xba: {  	[sflag:s0] =	ssyncadd.remote.s32 $0x1  }
0xbb: {  	_ =	sfence.sel $0xFFFF  }
0xbc: {  	[dreg:$0x0] =	wrdreg $0xFFFFFFFF;
	(pc) =	sbr.abs _section_cstart, $3  }
0xbd: {  	[dreg:$0x1] =	wrdreg $0xFFFFFFFF  }
0xbe: {  	_ =	task.clear_ibuf [dreg:s4], $0x2FFFF;
	_ =	strace $0x9FFFFFFF  }
0xbf: {  	(tm) =	ssettm $0x7FFFFFFF  }
tec
execute0_lowered:
.L_overlay_start_1:
0x0: {  	(tag) =	ssettag $0x1  }
0x1: {  	s0 =	stileid.u32  }
0x2: {  	s2 =	sshrl.u32 s0, $0x3  }
0x3: {  	s1 =	sshll.u32 s0, $0x7;
	s4 =	smul.u32 $0x27800, s2  }
0x4: {  	s3 =	sand.u32 $0x380, s1  }
0x5: {  	s5 =	rddreg [dreg:$0x0];
	s6 =	simm.s32 $0x0;
	s4 =	sor.u32 s3, s4  }
0x6: {  	s7 =	simm.s32 $0x80;
	s8 =	simm.s32 $0x400;
	s4 =	sshrl.u32 s4, $0x3  }
0x7: {  	s30 =	simm.s32 $0x1;
	[smem:$0x7FF] =	sst s6;
	s4 =	sadd.s32 s4, s5  }
0x8: {  	s1 =	rddreg [dreg:$0x1];
	_ =	strace $0x80000047;
	s4 =	sadd.s32 $0xA00, s4  }
0x9: {  	[tilespmem:s6], [sflag:$0x1] =	stream.strided.gather [hbm4b:s4+s7], $0x4F00, s8, s7, $0x38;
	[tilespmem:$0x7700] =	vst v63  }
0xa: {  	_ =	swait.ge [sflag:s30], $0x4F00  }
0xb: {  	[sflag:s30] =	ssyncset.done $0x0  }
0xc: {  	s31 =	sadd.s32 $0xA800, s5;
	s4 =	simm.s32 $0x4F00;
	[sflag:s30] =	ssyncadd.s32 $0xFFFFB100  }
0xd: {  	[tilespmem:s4], [sflag:$0x1] =	stream.linear.gather [hbm4b:s31+s6], $0x2800, $0x38;
	[tilespmem:$0x7700] =	vst v63  }
0xe: {  	_ =	swait.ge [sflag:s30], $0x2800  }
0xf: {  	s5 =	sadd.s32 $0xAE00, s5;
	[sflag:s30] =	ssyncset.done $0x0  }
0x10: {  	v0 =	vimm.f32 $1.000000000e+00;
	s7 =	simm.s32 $0x0;
	s6 =	simm.s32 $0x40;
	[sflag:s30] =	ssyncadd.s32 $0xFFFFD800  }
.LBB2_1:
0x11: {  	p0 =	sne.s32 s6, $0x13BC0;
	v1 =	vld [tilespmem:s7+$0x0];
	_ =	sdelay $0x3  }
.Ltmp0:
0x12: {  	(pc) =	sbr.rel @p0 .LBB2_1-.Ltmp0, $2  }
0x13: {  	_ =	sdelay $0x2  }
0x14: {  	s7 =	sshra.s32 s6, $0x2;
	s6 =	sadd.s32 $0x40, s6;
	[tilespmem:v1+s4+$0x0] =	vst.idx.add.f32.msk $0xffff, v0  }
0x15: {  	v1 =	vld [tilespmem:s7+$0x0];
	_ =	sdelay $0x3  }
0x16: {  	s2 =	smul.u32 $0x14000, s2;
	_ =	sdelay $0x1  }
0x17: {  	s2 =	sor.u32 s3, s2  }
0x18: {  	s28 =	simm.s32 $0x80;
	s29 =	simm.s32 $0x400;
	s2 =	sshrl.u32 s2, $0x3  }
0x19: {  	s30 =	simm.s32 $0x4F00;
	s31 =	simm.s32 $0x1;
	s2 =	sadd.s32 s5, s2;
	[tilespmem:v1+s4+$0x0] =	vst.idx.add.f32.msk $0xffff, v0  }
0x1a: {  	[hbm4b:s2+s28] =	stream.strided.scatter [tilespmem:s30], [sflag:$0x1], $0x2800, s29, s28, $0x38;
	[tilespmem:$0x7700] =	vst v63  }
0x1b: {  	_ =	swait.ge [sflag:s31], $0x2800  }
0x1c: {  	[sflag:s31] =	ssyncset.done $0x0  }
0x1d: {  	[sflag:s31] =	ssyncadd.s32 $0xFFFFD800  }
0x1e: {  	_ =	sfence.sel $0x180000  }
0x1f: {  	[bflag:$0x0] =	sbarrier.arrive $0xFFFF  }
0x20: {  	p0 =	sne.s32 s0, $0x0;
	_ =	strace $0x90000047  }
0x21: {  	s0 =	sadd.s32 @!p0 $0x100000, s1;
	[bflag:$0x2] =	sbarrier.arrive $0xFFFF  }
0x22: {  	[sflag:s0] =	ssyncadd.tile.s32 @!p0 $0x1;
	_ =	shalt  }
.Lfunc_end2:
_tile_overlayer_lowered:
.L_overlay_start_2:
0x23: {  	(tag) =	ssettag $0x2  }
0x24: {  	s0 =	rddreg [dreg:$0x0];
	s2 =	stileid.u32  }
0x25: {  	s1 =	rddreg [dreg:$0x1];
	p0 =	sne.s32 s2, $0x0  }
0x26: {  	s3 =	rddreg [dreg:$0x2];
	[bflag:$0x3] =	sbarrier.arrive $0xFFFF;
	s2 =	simm.s32 @!p0 $0x1C01  }
0x27: {  	[timem:s3], [sflag:s2] =	dma.local @!p0 [hbm:s0], s1  }
0x28: {  	s0 =	simm.s32 @!p0 $0x1  }
0x29: {  	_ =	swait.ge @!p0 [sflag:s0], s1  }
0x2a: {  	s1 =	ssub.s32 @!p0 $0x0, s1;
	[sflag:s0] =	ssyncset.done @!p0 $0x0  }
0x2b: {  	[sflag:s0] =	ssyncadd.s32 @!p0 s1  }
0x2c: {  	[bflag:$0x3] =	sbarrier.arrive $0xFFFF  }
0x2d: {  	_ =	shalt  }

</sc_bundles>
